<compile_context>
chip_gen: v7x
topology: tpu7x:2x2x1
jax: 0.10.2.dev20260603
libtpu: 0.0.44.dev20260713+nightly
codegen_flags: <defaults>
</compile_context>

<pallas_src>
import functools

import jax
import jax.numpy as jnp
from jax import lax
from jax.experimental import pallas as pl
from jax.experimental.pallas import tpu as pltpu
from jax.experimental.pallas import tpu_sc as plsc

F32 = jnp.float32

_N = 10000
_E = 320000
_DC = 16
_NG = 64

_NC = 2
_NS = 16
_NW = _NC * _NS
_EPW = _E // _NW
_CH = 80
_NJ = _EPW // _CH



def _proj_body(x_ref, w_ref, b_ref, o_ref):
    o_ref[...] = jax.nn.relu(
        jnp.dot(x_ref[...], w_ref[...], preferred_element_type=F32) + b_ref[...])


def _projection(x, w0, b0):
    nblk = 5
    bm = _N // nblk
    return pl.pallas_call(
        _proj_body,
        grid=(nblk,),
        in_specs=[
            pl.BlockSpec((bm, x.shape[1]), lambda i: (i, 0)),
            pl.BlockSpec(w0.shape, lambda i: (0, 0)),
            pl.BlockSpec((1, _DC), lambda i: (0, 0)),
        ],
        out_specs=pl.BlockSpec((bm, _DC), lambda i: (i, 0)),
        out_shape=jax.ShapeDtypeStruct((_N, _DC), F32),
    )(x, w0, b0.reshape(1, -1))



def _msg_body(ea_ref, g_ref, a1_ref, bn1_ref, a2_ref, bn2_ref, o_ref):
    eye = (lax.broadcasted_iota(jnp.int32, (_DC, _DC), 0) ==
           lax.broadcasted_iota(jnp.int32, (_DC, _DC), 1)).astype(F32)
    dn0 = (((0,), (1,)), ((), ()))
    dn1 = (((0,), (0,)), ((), ()))
    rh_t = jax.nn.relu(
        lax.dot_general(a1_ref[...], ea_ref[...], dn0,
                        preferred_element_type=F32) + bn1_ref[...])
    ew_t = (lax.dot_general(a2_ref[...], rh_t, dn1,
                            preferred_element_type=F32) + bn2_ref[...])
    g_t = lax.dot_general(eye, g_ref[...], dn0, preferred_element_type=F32)
    acc = g_t[0:1, :] * ew_t[0:_DC, :]
    for i in range(1, _DC):
        acc = acc + g_t[i:i + 1, :] * ew_t[i * _DC:(i + 1) * _DC, :]
    o_ref[...] = lax.dot_general(acc, eye, dn1, preferred_element_type=F32)


def _messages(edge_attr, g, a1, bn1, a2, bn2):
    be = 2000
    nblk = _E // be
    return pl.pallas_call(
        _msg_body,
        grid=(nblk,),
        in_specs=[
            pl.BlockSpec((be, edge_attr.shape[1]), lambda i: (i, 0)),
            pl.BlockSpec((be, _DC), lambda i: (i, 0)),
            pl.BlockSpec(a1.shape, lambda i: (0, 0)),
            pl.BlockSpec((a1.shape[1], 1), lambda i: (0, 0)),
            pl.BlockSpec(a2.shape, lambda i: (0, 0)),
            pl.BlockSpec((a2.shape[1], 1), lambda i: (0, 0)),
        ],
        out_specs=pl.BlockSpec((be, _DC), lambda i: (i, 0)),
        out_shape=jax.ShapeDtypeStruct((_E, _DC), F32),
    )(edge_attr, g, a1, bn1.reshape(-1, 1), a2, bn2.reshape(-1, 1))



@functools.cache
def _sc_mesh():
    return plsc.VectorSubcoreMesh(core_axis_name="c", subcore_axis_name="s",
                                  num_cores=_NC, num_subcores=_NS)


def _sc_gather_body(table_hbm, src_hbm, out_hbm, idx_v, rows_v, sem):
    c = lax.axis_index("c")
    s = lax.axis_index("s")
    wid = s * _NC + c
    pltpu.sync_copy(src_hbm.at[pl.ds(wid * _NJ, _NJ)], idx_v)

    def body(j, carry):
        pltpu.async_copy(table_hbm.at[idx_v.at[j]], rows_v, sem).wait()
        pltpu.sync_copy(rows_v, out_hbm.at[pl.ds(wid * _EPW + j * _CH, _CH)])
        return carry

    lax.fori_loop(0, _NJ, body, 0)


@functools.cache
def _sc_gather():
    return pl.kernel(
        _sc_gather_body,
        out_type=jax.ShapeDtypeStruct((_E, _DC), F32),
        mesh=_sc_mesh(),
        compiler_params=pltpu.CompilerParams(use_tc_tiling_on_sc=False),
        scratch_types=[
            pltpu.VMEM((_NJ, _CH), jnp.int32),
            pltpu.VMEM((_CH, _DC), F32),
            pltpu.SemaphoreType.DMA,
        ],
    )



_RPT = _N // _NS


def _sc_scatter_body(msg_hbm, dst_hbm, pagg_hbm, pcnt_hbm,
                     idx_v, ones_v, buf_v, agg_sh, cnt_sh):
    c = lax.axis_index("c")
    s = lax.axis_index("s")
    wid = s * _NC + c

    def fill_ones(i, carry):
        ones_v[i, :] = jnp.ones((_DC,), F32)
        return carry

    lax.fori_loop(0, _CH, fill_ones, 0)

    def fill_zeros(i, carry):
        buf_v[i, :] = jnp.zeros((_DC,), F32)
        return carry

    lax.fori_loop(0, _RPT, fill_zeros, 0)
    pltpu.sync_copy(buf_v, agg_sh.at[pl.ds(s * _RPT, _RPT)])
    pltpu.sync_copy(buf_v, cnt_sh.at[pl.ds(s * _RPT, _RPT)])
    plsc.subcore_barrier()

    pltpu.sync_copy(dst_hbm.at[pl.ds(wid * _NJ, _NJ)], idx_v)

    def body(j, carry):
        pltpu.sync_copy(msg_hbm.at[pl.ds(wid * _EPW + j * _CH, _CH)],
                        buf_v.at[pl.ds(0, _CH)])
        pltpu.sync_copy(buf_v.at[pl.ds(0, _CH)], agg_sh.at[idx_v.at[j]],
                        add=True)
        pltpu.sync_copy(ones_v, cnt_sh.at[idx_v.at[j]], add=True)
        return carry

    lax.fori_loop(0, _NJ, body, 0)
    plsc.subcore_barrier()

    pltpu.sync_copy(agg_sh.at[pl.ds(s * _RPT, _RPT)], buf_v)
    pltpu.sync_copy(buf_v, pagg_hbm.at[c].at[pl.ds(s * _RPT, _RPT)])
    pltpu.sync_copy(cnt_sh.at[pl.ds(s * _RPT, _RPT)], buf_v)
    pltpu.sync_copy(buf_v, pcnt_hbm.at[c].at[pl.ds(s * _RPT, _RPT)])


@functools.cache
def _sc_scatter():
    return pl.kernel(
        _sc_scatter_body,
        out_type=(
            jax.ShapeDtypeStruct((_NC, _N, _DC), F32),
            jax.ShapeDtypeStruct((_NC, _N, _DC), F32),
        ),
        mesh=_sc_mesh(),
        compiler_params=pltpu.CompilerParams(use_tc_tiling_on_sc=False),
        scratch_types=[
            pltpu.VMEM((_NJ, _CH), jnp.int32),
            pltpu.VMEM((_CH, _DC), F32),
            pltpu.VMEM((_RPT, _DC), F32),
            pltpu.VMEM_SHARED((_N, _DC), F32),
            pltpu.VMEM_SHARED((_N, _DC), F32),
        ],
    )



def _gru_core(pa0, pa1, pc0, pc1, h, root, convb, wihT, bih, whhT, bhh):
    agg = pa0 + pa1
    cnt = pc0 + pc1
    mean = agg / jnp.maximum(cnt, 1.0)
    m = jax.nn.relu(
        mean + jnp.dot(h, root, preferred_element_type=F32) + convb)
    gi = jnp.dot(m, wihT, preferred_element_type=F32) + bih
    gh = jnp.dot(h, whhT, preferred_element_type=F32) + bhh
    r = jax.nn.sigmoid(gi[:, 0:_DC] + gh[:, 0:_DC])
    z = jax.nn.sigmoid(gi[:, _DC:2 * _DC] + gh[:, _DC:2 * _DC])
    n = jnp.tanh(gi[:, 2 * _DC:] + r * gh[:, 2 * _DC:])
    return (1.0 - z) * n + z * h


def _update_body(pa0_ref, pa1_ref, pc0_ref, pc1_ref, h_ref, root_ref,
                 convb_ref, wihT_ref, bih_ref, whhT_ref, bhh_ref, o_ref):
    o_ref[...] = _gru_core(
        pa0_ref[...], pa1_ref[...], pc0_ref[...], pc1_ref[...], h_ref[...],
        root_ref[...], convb_ref[...], wihT_ref[...], bih_ref[...],
        whhT_ref[...], bhh_ref[...])


def _update_final_body(pa0_ref, pa1_ref, pc0_ref, pc1_ref, h_ref, root_ref,
                       convb_ref, wihT_ref, bih_ref, whhT_ref, bhh_ref,
                       batch_ref, gattr_ref, w1a_ref, w1b_ref, bl1_ref,
                       w2_ref, bl2_ref, o_ref):
    h = _gru_core(
        pa0_ref[...], pa1_ref[...], pc0_ref[...], pc1_ref[...], h_ref[...],
        root_ref[...], convb_ref[...], wihT_ref[...], bih_ref[...],
        whhT_ref[...], bhh_ref[...])
    oh = (batch_ref[...] ==
          lax.broadcasted_iota(jnp.int32, (h.shape[0], _NG), 1)).astype(F32)
    gb = jnp.dot(oh, gattr_ref[...], preferred_element_type=F32)
    t = jax.nn.relu(
        jnp.dot(h, w1a_ref[...], preferred_element_type=F32)
        + jnp.dot(gb, w1b_ref[...], preferred_element_type=F32)
        + bl1_ref[...])
    o_ref[...] = (jnp.dot(t, w2_ref[...], preferred_element_type=F32)
                  + bl2_ref[...])


def _full(shape):
    return pl.BlockSpec(shape, lambda: (0,) * len(shape))


def _update(pagg, pcnt, h, root, convb, wihT, bih, whhT, bhh):
    args = (pagg[0], pagg[1], pcnt[0], pcnt[1], h, root,
            convb.reshape(1, -1), wihT, bih.reshape(1, -1), whhT,
            bhh.reshape(1, -1))
    return pl.pallas_call(
        _update_body,
        in_specs=[_full(a.shape) for a in args],
        out_specs=_full((_N, _DC)),
        out_shape=jax.ShapeDtypeStruct((_N, _DC), F32),
    )(*args)


def _update_final(pagg, pcnt, h, root, convb, wihT, bih, whhT, bhh,
                  batch, gattr, w1, bl1, w2, bl2):
    args = (pagg[0], pagg[1], pcnt[0], pcnt[1], h, root,
            convb.reshape(1, -1), wihT, bih.reshape(1, -1), whhT,
            bhh.reshape(1, -1), batch.reshape(-1, 1), gattr,
            w1[:_DC], w1[_DC:], bl1.reshape(1, -1), w2, bl2.reshape(1, -1))
    return pl.pallas_call(
        _update_final_body,
        in_specs=[_full(a.shape) for a in args],
        out_specs=_full((_N, w2.shape[1])),
        out_shape=jax.ShapeDtypeStruct((_N, w2.shape[1]), F32),
    )(*args)



def kernel(x, edge_index, edge_attr, graph_attr, batch, W0, b0, A1, bn1, A2,
           bn2, root, convb, Wih, bih, Whh, bhh, W1, bl1, W2, bl2):
    src2d = edge_index[0].reshape(_E // _CH, _CH)
    dst2d = edge_index[1].reshape(_E // _CH, _CH)
    wihT = Wih.T
    whhT = Whh.T

    h = _projection(x, W0, b0)
    for r in range(2):
        g = _sc_gather()(h, src2d)
        msg = _messages(edge_attr, g, A1, bn1, A2, bn2)
        pagg, pcnt = _sc_scatter()(msg, dst2d)
        if r == 0:
            h = _update(pagg, pcnt, h, root, convb, wihT, bih, whhT, bhh)
        else:
            h = _update_final(pagg, pcnt, h, root, convb, wihT, bih, whhT,
                              bhh, batch, graph_attr, W1, bl1, W2, bl2)
    return h

# --- scband reference (transcript-rebuilt; emitter-appended) ---
"""Pipeline reference for scband-node-prediction-model-9371618640687 (READ-ONLY COPY).

The authoritative reference and input builder live on the scoring server;
editing this copy changes nothing except your own understanding.
"""

import jax, jax.numpy as jnp
import numpy as np

N = 10000
E = 320000
D_FEAT = 128
D_EDGE = 16
D_CONV = 16
D_LIN = 64
D_OUT = 16
N_GRAPHS = 64
G_DIM = 16
MP_TIMES = 2


def setup_inputs(seed: int = 0) -> dict:
    key = jax.random.key(seed)
    ks = jax.random.split(key, 24)
    inp = {}
    inp["x"] = jax.random.normal(ks[0], (N, D_FEAT), dtype=jnp.float32)
    inp["edge_index"] = jax.random.randint(ks[1], (2, E), 0, N)
    inp["edge_attr"] = jax.random.normal(ks[2], (E, D_EDGE), dtype=jnp.float32)
    inp["graph_attr"] = jax.random.normal(ks[3], (N_GRAPHS, G_DIM), dtype=jnp.float32)
    inp["batch"] = jnp.sort(jax.random.randint(ks[4], (N,), 0, N_GRAPHS))
    # parameters
    inp["W0"] = jax.random.normal(ks[5], (D_FEAT, D_CONV), dtype=jnp.float32) * (1.0 / np.sqrt(D_FEAT))
    inp["b0"] = jnp.zeros((D_CONV,), dtype=jnp.float32)
    inp["A1"] = jax.random.normal(ks[6], (D_EDGE, D_LIN), dtype=jnp.float32) * (1.0 / np.sqrt(D_EDGE))
    inp["bn1"] = jnp.zeros((D_LIN,), dtype=jnp.float32)
    inp["A2"] = jax.random.normal(ks[7], (D_LIN, D_CONV * D_CONV), dtype=jnp.float32) * (1.0 / np.sqrt(D_LIN))
    inp["bn2"] = jnp.zeros((D_CONV * D_CONV,), dtype=jnp.float32)
    inp["root"] = jax.random.normal(ks[8], (D_CONV, D_CONV), dtype=jnp.float32) * (1.0 / np.sqrt(D_CONV))
    inp["convb"] = jnp.zeros((D_CONV,), dtype=jnp.float32)
    inp["Wih"] = jax.random.normal(ks[9], (3 * D_CONV, D_CONV), dtype=jnp.float32) * (1.0 / np.sqrt(D_CONV))
    inp["bih"] = jnp.zeros((3 * D_CONV,), dtype=jnp.float32)
    inp["Whh"] = jax.random.normal(ks[10], (3 * D_CONV, D_CONV), dtype=jnp.float32) * (1.0 / np.sqrt(D_CONV))
    inp["bhh"] = jnp.zeros((3 * D_CONV,), dtype=jnp.float32)
    inp["W1"] = jax.random.normal(ks[11], (D_CONV + G_DIM, D_CONV), dtype=jnp.float32) * (1.0 / np.sqrt(D_CONV + G_DIM))
    inp["bl1"] = jnp.zeros((D_CONV,), dtype=jnp.float32)
    inp["W2"] = jax.random.normal(ks[12], (D_CONV, D_OUT), dtype=jnp.float32) * (1.0 / np.sqrt(D_CONV))
    inp["bl2"] = jnp.zeros((D_OUT,), dtype=jnp.float32)
    return inp


def reference(x, edge_index, edge_attr, graph_attr, batch, W0, b0, A1, bn1, A2, bn2, root, convb, Wih, bih, Whh, bhh, W1, bl1, W2, bl2):
    src = edge_index[0]
    dst = edge_index[1]
    out = jax.nn.relu(x @ W0 + b0)
    h = out
    for _ in range(MP_TIMES):
        # NNConv: edge MLP produces a [D_CONV, D_CONV] kernel per edge
        ew = jax.nn.relu(edge_attr @ A1 + bn1)
        ew = (ew @ A2 + bn2).reshape(-1, D_CONV, D_CONV)
        msg = jnp.einsum('ei,eio->eo', out[src], ew)
        agg = jax.ops.segment_sum(msg, dst, num_segments=N)
        cnt = jax.ops.segment_sum(jnp.ones((msg.shape[0],), dtype=msg.dtype), dst, num_segments=N)
        agg = agg / jnp.maximum(cnt, 1.0)[:, None]
        m = jax.nn.relu(agg + out @ root + convb)
        # single-step GRU (torch GRU semantics, seq_len=1)
        gi = m @ Wih.T + bih
        gh = h @ Whh.T + bhh
        i_r, i_z, i_n = jnp.split(gi, 3, axis=-1)
        h_r, h_z, h_n = jnp.split(gh, 3, axis=-1)
        r = jax.nn.sigmoid(i_r + h_r)
        z = jax.nn.sigmoid(i_z + h_z)
        n = jnp.tanh(i_n + r * h_n)
        h = (1.0 - z) * n + z * h
        out = h
    out = jnp.concatenate([out, graph_attr[batch]], axis=-1)
    out = jax.nn.relu(out @ W1 + bl1)
    out = out @ W2 + bl2
    return out

if __name__ == "__main__":
    import jax
    _d = setup_inputs()
    print(jax.jit(kernel)(*tuple(_d.values())))

</pallas_src>

<mosaic_0001>
#map = affine_map<(d0, d1) -> (0, 0)>
#map1 = affine_map<(d0, d1) -> (0, 0, 0)>
module attributes {stable_mosaic.version = 14 : i64} {
  func.func @_sc_scatter_body(%arg0: i32, %arg1: i32, %arg2: memref<320000x16xf32, #tpu.memory_space<hbm>>, %arg3: memref<4000x80xi32, #tpu.memory_space<hbm>>, %arg4: memref<2x10000x16xf32, #tpu.memory_space<hbm>>, %arg5: memref<2x10000x16xf32, #tpu.memory_space<hbm>>, %arg6: memref<125x80xi32, #tpu.memory_space<vmem>>, %arg7: memref<80x16xf32, #tpu.memory_space<vmem>>, %arg8: memref<625x16xf32, #tpu.memory_space<vmem>>, %arg9: memref<10000x16xf32, #tpu.memory_space<vmem_shared>>, %arg10: memref<10000x16xf32, #tpu.memory_space<vmem_shared>>) attributes {dimension_semantics = [#tpu.dimension_semantics<core_parallel>, #tpu.dimension_semantics<subcore_parallel>], iteration_bounds = array<i64: 2, 16>, scalar_prefetch = 0 : i64, scratch_operands = 5 : i64, tpu.core_type = #tpu.core_type<sc_vector_subcore>, window_params = [{transform_indices = #map}, {transform_indices = #map}, {transform_indices = #map1}, {transform_indices = #map1}]} {
    %mul3A = arith.constant 2 : i32
    %mul3A_0 = arith.muli %arg1, %mul3A : i32
    %add3A = arith.addi %mul3A_0, %arg0 : i32
    %scan3A = arith.constant 0 : i32
    %scan3A_1 = arith.constant 0 : i32
    %scan3A_2 = arith.constant 80 : i32
    %scan3A_3 = arith.addi %scan3A_1, %scan3A_2 : i32
    %scan3A_4 = arith.constant 1 : i32
    scf.for %scan3A_33 = %scan3A_1 to %scan3A_3 step %scan3A_4  : i32 {
      %broadcast_in_dim3A = arith.constant 1.000000e+00 : f32
      %broadcast_in_dim3A_34 = vector.broadcast %broadcast_in_dim3A : f32 to vector<16xf32>
      %swap3A = arith.index_cast %scan3A_33 : i32 to index
      %swap3A_35 = arith.constant 0 : index
      %swap3A_36 = tpu.vector_load %arg7[%swap3A, %swap3A_35] {strides = array<i32>} : memref<80x16xf32, #tpu.memory_space<vmem>>, vector<1x16xf32>,
      %swap3A_37 = vector.shape_cast %swap3A_36 : vector<1x16xf32> to vector<16xf32>
      %swap3A_38 = vector.shape_cast %broadcast_in_dim3A_34 : vector<16xf32> to vector<1x16xf32>
      tpu.vector_store %arg7[%swap3A, %swap3A_35], %swap3A_38 {strides = array<i32>} : memref<80x16xf32, #tpu.memory_space<vmem>>, vector<1x16xf32>,
    }
    %scan3A_5 = arith.constant 80 : i32
    %scan3A_6 = arith.constant 0 : i32
    %scan3A_7 = arith.constant 0 : i32
    %scan3A_8 = arith.constant 625 : i32
    %scan3A_9 = arith.addi %scan3A_7, %scan3A_8 : i32
    %scan3A_10 = arith.constant 1 : i32
    scf.for %scan3A_33 = %scan3A_7 to %scan3A_9 step %scan3A_10  : i32 {
      %broadcast_in_dim3A = arith.constant 0.000000e+00 : f32
      %broadcast_in_dim3A_34 = vector.broadcast %broadcast_in_dim3A : f32 to vector<16xf32>
      %swap3A = arith.index_cast %scan3A_33 : i32 to index
      %swap3A_35 = arith.constant 0 : index
      %swap3A_36 = tpu.vector_load %arg8[%swap3A, %swap3A_35] {strides = array<i32>} : memref<625x16xf32, #tpu.memory_space<vmem>>, vector<1x16xf32>,
      %swap3A_37 = vector.shape_cast %swap3A_36 : vector<1x16xf32> to vector<16xf32>
      %swap3A_38 = vector.shape_cast %broadcast_in_dim3A_34 : vector<16xf32> to vector<1x16xf32>
      tpu.vector_store %arg8[%swap3A, %swap3A_35], %swap3A_38 {strides = array<i32>} : memref<625x16xf32, #tpu.memory_space<vmem>>, vector<1x16xf32>,
    }
    %scan3A_11 = arith.constant 625 : i32
    %mul3A_12 = arith.constant 625 : i32
    %mul3A_13 = arith.muli %arg1, %mul3A_12 : i32
    "tpu.region"() ({
      %run_scoped3A = tpu.sem_alloc : memref<!tpu.dma_semaphore, #tpu.memory_space<semaphore_mem>>
      %dma_start3A = arith.constant 0 : i32
      %dma_start3A_33 = tpu.memref_slice %arg9[%mul3A_13, %dma_start3A] : memref<10000x16xf32, #tpu.memory_space<vmem_shared>> -> memref<625x16xf32, #tpu.memory_space<vmem_shared>>
      %dma_start3A_34 = arith.constant 0 : i32
      %dma_start3A_35 = tpu.memref_slice %arg9[%mul3A_13, %dma_start3A_34] : memref<10000x16xf32, #tpu.memory_space<vmem_shared>> -> memref<625x16xf32, #tpu.memory_space<vmem_shared>>
      tpu.enqueue_dma source(%arg8 : memref<625x16xf32, #tpu.memory_space<vmem>>) target(%dma_start3A_35 : memref<625x16xf32, #tpu.memory_space<vmem_shared>>) target_semaphore(%run_scoped3A : memref<!tpu.dma_semaphore, #tpu.memory_space<semaphore_mem>>)
      %dma_wait3A = arith.constant 0 : i32
      %dma_wait3A_36 = tpu.memref_slice %arg9[%mul3A_13, %dma_wait3A] : memref<10000x16xf32, #tpu.memory_space<vmem_shared>> -> memref<625x16xf32, #tpu.memory_space<vmem_shared>>
      %dma_wait3A_37 = arith.constant 0 : i32
      %dma_wait3A_38 = tpu.memref_slice %arg9[%mul3A_13, %dma_wait3A_37] : memref<10000x16xf32, #tpu.memory_space<vmem_shared>> -> memref<625x16xf32, #tpu.memory_space<vmem_shared>>
      tpu.wait_dma2 semaphore(%run_scoped3A : memref<!tpu.dma_semaphore, #tpu.memory_space<semaphore_mem>>) src(%arg8 : memref<625x16xf32, #tpu.memory_space<vmem>>) dst(%dma_wait3A_38 : memref<625x16xf32, #tpu.memory_space<vmem_shared>>)
      tpu.yield
    }) : () -> ()
    %mul3A_14 = arith.constant 625 : i32
    %mul3A_15 = arith.muli %arg1, %mul3A_14 : i32
    "tpu.region"() ({
      %run_scoped3A = tpu.sem_alloc : memref<!tpu.dma_semaphore, #tpu.memory_space<semaphore_mem>>
      %dma_start3A = arith.constant 0 : i32
      %dma_start3A_33 = tpu.memref_slice %arg10[%mul3A_15, %dma_start3A] : memref<10000x16xf32, #tpu.memory_space<vmem_shared>> -> memref<625x16xf32, #tpu.memory_space<vmem_shared>>
      %dma_start3A_34 = arith.constant 0 : i32
      %dma_start3A_35 = tpu.memref_slice %arg10[%mul3A_15, %dma_start3A_34] : memref<10000x16xf32, #tpu.memory_space<vmem_shared>> -> memref<625x16xf32, #tpu.memory_space<vmem_shared>>
      tpu.enqueue_dma source(%arg8 : memref<625x16xf32, #tpu.memory_space<vmem>>) target(%dma_start3A_35 : memref<625x16xf32, #tpu.memory_space<vmem_shared>>) target_semaphore(%run_scoped3A : memref<!tpu.dma_semaphore, #tpu.memory_space<semaphore_mem>>)
      %dma_wait3A = arith.constant 0 : i32
      %dma_wait3A_36 = tpu.memref_slice %arg10[%mul3A_15, %dma_wait3A] : memref<10000x16xf32, #tpu.memory_space<vmem_shared>> -> memref<625x16xf32, #tpu.memory_space<vmem_shared>>
      %dma_wait3A_37 = arith.constant 0 : i32
      %dma_wait3A_38 = tpu.memref_slice %arg10[%mul3A_15, %dma_wait3A_37] : memref<10000x16xf32, #tpu.memory_space<vmem_shared>> -> memref<625x16xf32, #tpu.memory_space<vmem_shared>>
      tpu.wait_dma2 semaphore(%run_scoped3A : memref<!tpu.dma_semaphore, #tpu.memory_space<semaphore_mem>>) src(%arg8 : memref<625x16xf32, #tpu.memory_space<vmem>>) dst(%dma_wait3A_38 : memref<625x16xf32, #tpu.memory_space<vmem_shared>>)
      tpu.yield
    }) : () -> ()
    %barrier3A = arith.constant 0 : index
    tpu.barrier barrier_id(%barrier3A)
    %mul3A_16 = arith.constant 125 : i32
    %mul3A_17 = arith.muli %add3A, %mul3A_16 : i32
    "tpu.region"() ({
      %run_scoped3A = tpu.sem_alloc : memref<!tpu.dma_semaphore, #tpu.memory_space<semaphore_mem>>
      %dma_start3A = arith.constant 0 : i32
      %dma_start3A_33 = tpu.memref_slice %arg3[%mul3A_17, %dma_start3A] : memref<4000x80xi32, #tpu.memory_space<hbm>> -> memref<125x80xi32, #tpu.memory_space<hbm>>
      %dma_start3A_34 = arith.constant 0 : i32
      %dma_start3A_35 = tpu.memref_slice %arg3[%mul3A_17, %dma_start3A_34] : memref<4000x80xi32, #tpu.memory_space<hbm>> -> memref<125x80xi32, #tpu.memory_space<hbm>>
      tpu.enqueue_dma source(%dma_start3A_35 : memref<125x80xi32, #tpu.memory_space<hbm>>) target(%arg6 : memref<125x80xi32, #tpu.memory_space<vmem>>) target_semaphore(%run_scoped3A : memref<!tpu.dma_semaphore, #tpu.memory_space<semaphore_mem>>)
      %dma_wait3A = arith.constant 0 : i32
      %dma_wait3A_36 = tpu.memref_slice %arg3[%mul3A_17, %dma_wait3A] : memref<4000x80xi32, #tpu.memory_space<hbm>> -> memref<125x80xi32, #tpu.memory_space<hbm>>
      %dma_wait3A_37 = arith.constant 0 : i32
      %dma_wait3A_38 = tpu.memref_slice %arg3[%mul3A_17, %dma_wait3A_37] : memref<4000x80xi32, #tpu.memory_space<hbm>> -> memref<125x80xi32, #tpu.memory_space<hbm>>
      tpu.wait_dma2 semaphore(%run_scoped3A : memref<!tpu.dma_semaphore, #tpu.memory_space<semaphore_mem>>) src(%dma_wait3A_38 : memref<125x80xi32, #tpu.memory_space<hbm>>) dst(%arg6 : memref<125x80xi32, #tpu.memory_space<vmem>>)
      tpu.yield
    }) : () -> ()
    %scan3A_18 = arith.constant 0 : i32
    %scan3A_19 = arith.constant 0 : i32
    %scan3A_20 = arith.constant 125 : i32
    %scan3A_21 = arith.addi %scan3A_19, %scan3A_20 : i32
    %scan3A_22 = arith.constant 1 : i32
    scf.for %scan3A_33 = %scan3A_19 to %scan3A_21 step %scan3A_22  : i32 {
      %mul3A_34 = arith.constant 10000 : i32
      %mul3A_35 = arith.muli %add3A, %mul3A_34 : i32
      %mul3A_36 = arith.constant 80 : i32
      %mul3A_37 = arith.muli %scan3A_33, %mul3A_36 : i32
      %add3A_38 = arith.addi %mul3A_35, %mul3A_37 : i32
      "tpu.region"() ({
        %run_scoped3A = tpu.sem_alloc : memref<!tpu.dma_semaphore, #tpu.memory_space<semaphore_mem>>
        %dma_start3A = arith.constant 0 : i32
        %dma_start3A_39 = arith.constant 0 : i32
        %dma_start3A_40 = tpu.memref_slice %arg8[%dma_start3A, %dma_start3A_39] : memref<625x16xf32, #tpu.memory_space<vmem>> -> memref<80x16xf32, #tpu.memory_space<vmem>>
        %dma_start3A_41 = arith.constant 0 : i32
        %dma_start3A_42 = tpu.memref_slice %arg2[%add3A_38, %dma_start3A_41] : memref<320000x16xf32, #tpu.memory_space<hbm>> -> memref<80x16xf32, #tpu.memory_space<hbm>>
        %dma_start3A_43 = arith.constant 0 : i32
        %dma_start3A_44 = arith.constant 0 : i32
        %dma_start3A_45 = tpu.memref_slice %arg8[%dma_start3A_43, %dma_start3A_44] : memref<625x16xf32, #tpu.memory_space<vmem>> -> memref<80x16xf32, #tpu.memory_space<vmem>>
        %dma_start3A_46 = arith.constant 0 : i32
        %dma_start3A_47 = tpu.memref_slice %arg2[%add3A_38, %dma_start3A_46] : memref<320000x16xf32, #tpu.memory_space<hbm>> -> memref<80x16xf32, #tpu.memory_space<hbm>>
        tpu.enqueue_dma source(%dma_start3A_47 : memref<80x16xf32, #tpu.memory_space<hbm>>) target(%dma_start3A_45 : memref<80x16xf32, #tpu.memory_space<vmem>>) target_semaphore(%run_scoped3A : memref<!tpu.dma_semaphore, #tpu.memory_space<semaphore_mem>>)
        %dma_wait3A = arith.constant 0 : i32
        %dma_wait3A_48 = arith.constant 0 : i32
        %dma_wait3A_49 = tpu.memref_slice %arg8[%dma_wait3A, %dma_wait3A_48] : memref<625x16xf32, #tpu.memory_space<vmem>> -> memref<80x16xf32, #tpu.memory_space<vmem>>
        %dma_wait3A_50 = arith.constant 0 : i32
        %dma_wait3A_51 = tpu.memref_slice %arg2[%add3A_38, %dma_wait3A_50] : memref<320000x16xf32, #tpu.memory_space<hbm>> -> memref<80x16xf32, #tpu.memory_space<hbm>>
        %dma_wait3A_52 = arith.constant 0 : i32
        %dma_wait3A_53 = arith.constant 0 : i32
        %dma_wait3A_54 = tpu.memref_slice %arg8[%dma_wait3A_52, %dma_wait3A_53] : memref<625x16xf32, #tpu.memory_space<vmem>> -> memref<80x16xf32, #tpu.memory_space<vmem>>
        %dma_wait3A_55 = arith.constant 0 : i32
        %dma_wait3A_56 = tpu.memref_slice %arg2[%add3A_38, %dma_wait3A_55] : memref<320000x16xf32, #tpu.memory_space<hbm>> -> memref<80x16xf32, #tpu.memory_space<hbm>>
        tpu.wait_dma2 semaphore(%run_scoped3A : memref<!tpu.dma_semaphore, #tpu.memory_space<semaphore_mem>>) src(%dma_wait3A_56 : memref<80x16xf32, #tpu.memory_space<hbm>>) dst(%dma_wait3A_54 : memref<80x16xf32, #tpu.memory_space<vmem>>)
        tpu.yield
      }) : () -> ()
      "tpu.region"() ({
        %run_scoped3A = tpu.sem_alloc : memref<!tpu.dma_semaphore, #tpu.memory_space<semaphore_mem>>
        %dma_start3A = arith.constant 0 : i32
        %dma_start3A_39 = arith.constant 0 : i32
        %dma_start3A_40 = tpu.memref_slice %arg8[%dma_start3A, %dma_start3A_39] : memref<625x16xf32, #tpu.memory_space<vmem>> -> memref<80x16xf32, #tpu.memory_space<vmem>>
        %dma_start3A_41 = arith.constant 0 : i32
        %dma_start3A_42 = tpu.memref_slice %arg6[%scan3A_33, %dma_start3A_41] : memref<125x80xi32, #tpu.memory_space<vmem>> -> memref<1x80xi32, #tpu.memory_space<vmem>>
        %dma_start3A_43 = tpu.memref_squeeze %dma_start3A_42 : memref<1x80xi32, #tpu.memory_space<vmem>> -> memref<80xi32, #tpu.memory_space<vmem>>
        %dma_start3A_44 = arith.constant 0 : i32
        %dma_start3A_45 = arith.constant 0 : i32
        %dma_start3A_46 = tpu.memref_slice %arg9[%dma_start3A_44, %dma_start3A_45] : memref<10000x16xf32, #tpu.memory_space<vmem_shared>> -> memref<10000x16xf32, #tpu.memory_space<vmem_shared>>
        tpu.enqueue_indirect_dma source(%dma_start3A_40 : memref<80x16xf32, #tpu.memory_space<vmem>>) target(%dma_start3A_46 : memref<10000x16xf32, #tpu.memory_space<vmem_shared>>) offsets(%dma_start3A_43 : memref<80xi32, #tpu.memory_space<vmem>>) semaphore(%run_scoped3A : memref<!tpu.dma_semaphore, #tpu.memory_space<semaphore_mem>>) {add = true}
        %dma_wait3A = arith.constant 0 : i32
        %dma_wait3A_47 = arith.constant 0 : i32
        %dma_wait3A_48 = tpu.memref_slice %arg8[%dma_wait3A, %dma_wait3A_47] : memref<625x16xf32, #tpu.memory_space<vmem>> -> memref<80x16xf32, #tpu.memory_space<vmem>>
        %dma_wait3A_49 = arith.constant 0 : i32
        %dma_wait3A_50 = tpu.memref_slice %arg6[%scan3A_33, %dma_wait3A_49] : memref<125x80xi32, #tpu.memory_space<vmem>> -> memref<1x80xi32, #tpu.memory_space<vmem>>
        %dma_wait3A_51 = tpu.memref_squeeze %dma_wait3A_50 : memref<1x80xi32, #tpu.memory_space<vmem>> -> memref<80xi32, #tpu.memory_space<vmem>>
        %dma_wait3A_52 = arith.constant 0 : i32
        %dma_wait3A_53 = arith.constant 0 : i32
        %dma_wait3A_54 = tpu.memref_slice %arg9[%dma_wait3A_52, %dma_wait3A_53] : memref<10000x16xf32, #tpu.memory_space<vmem_shared>> -> memref<10000x16xf32, #tpu.memory_space<vmem_shared>>
        tpu.wait_indirect_dma semaphore(%run_scoped3A : memref<!tpu.dma_semaphore, #tpu.memory_space<semaphore_mem>>) src(%dma_wait3A_48 : memref<80x16xf32, #tpu.memory_space<vmem>>) dst(%dma_wait3A_54 : memref<10000x16xf32, #tpu.memory_space<vmem_shared>>)
        tpu.yield
      }) : () -> ()
      "tpu.region"() ({
        %run_scoped3A = tpu.sem_alloc : memref<!tpu.dma_semaphore, #tpu.memory_space<semaphore_mem>>
        %dma_start3A = arith.constant 0 : i32
        %dma_start3A_39 = tpu.memref_slice %arg6[%scan3A_33, %dma_start3A] : memref<125x80xi32, #tpu.memory_space<vmem>> -> memref<1x80xi32, #tpu.memory_space<vmem>>
        %dma_start3A_40 = tpu.memref_squeeze %dma_start3A_39 : memref<1x80xi32, #tpu.memory_space<vmem>> -> memref<80xi32, #tpu.memory_space<vmem>>
        %dma_start3A_41 = arith.constant 0 : i32
        %dma_start3A_42 = arith.constant 0 : i32
        %dma_start3A_43 = tpu.memref_slice %arg10[%dma_start3A_41, %dma_start3A_42] : memref<10000x16xf32, #tpu.memory_space<vmem_shared>> -> memref<10000x16xf32, #tpu.memory_space<vmem_shared>>
        tpu.enqueue_indirect_dma source(%arg7 : memref<80x16xf32, #tpu.memory_space<vmem>>) target(%dma_start3A_43 : memref<10000x16xf32, #tpu.memory_space<vmem_shared>>) offsets(%dma_start3A_40 : memref<80xi32, #tpu.memory_space<vmem>>) semaphore(%run_scoped3A : memref<!tpu.dma_semaphore, #tpu.memory_space<semaphore_mem>>) {add = true}
        %dma_wait3A = arith.constant 0 : i32
        %dma_wait3A_44 = tpu.memref_slice %arg6[%scan3A_33, %dma_wait3A] : memref<125x80xi32, #tpu.memory_space<vmem>> -> memref<1x80xi32, #tpu.memory_space<vmem>>
        %dma_wait3A_45 = tpu.memref_squeeze %dma_wait3A_44 : memref<1x80xi32, #tpu.memory_space<vmem>> -> memref<80xi32, #tpu.memory_space<vmem>>
        %dma_wait3A_46 = arith.constant 0 : i32
        %dma_wait3A_47 = arith.constant 0 : i32
        %dma_wait3A_48 = tpu.memref_slice %arg10[%dma_wait3A_46, %dma_wait3A_47] : memref<10000x16xf32, #tpu.memory_space<vmem_shared>> -> memref<10000x16xf32, #tpu.memory_space<vmem_shared>>
        tpu.wait_indirect_dma semaphore(%run_scoped3A : memref<!tpu.dma_semaphore, #tpu.memory_space<semaphore_mem>>) src(%arg7 : memref<80x16xf32, #tpu.memory_space<vmem>>) dst(%dma_wait3A_48 : memref<10000x16xf32, #tpu.memory_space<vmem_shared>>)
        tpu.yield
      }) : () -> ()
    }
    %scan3A_23 = arith.constant 125 : i32
    %barrier3A_24 = arith.constant 0 : index
    tpu.barrier barrier_id(%barrier3A_24)
    %mul3A_25 = arith.constant 625 : i32
    %mul3A_26 = arith.muli %arg1, %mul3A_25 : i32
    "tpu.region"() ({
      %run_scoped3A = tpu.sem_alloc : memref<!tpu.dma_semaphore, #tpu.memory_space<semaphore_mem>>
      %dma_start3A = arith.constant 0 : i32
      %dma_start3A_33 = tpu.memref_slice %arg9[%mul3A_26, %dma_start3A] : memref<10000x16xf32, #tpu.memory_space<vmem_shared>> -> memref<625x16xf32, #tpu.memory_space<vmem_shared>>
      %dma_start3A_34 = arith.constant 0 : i32
      %dma_start3A_35 = tpu.memref_slice %arg9[%mul3A_26, %dma_start3A_34] : memref<10000x16xf32, #tpu.memory_space<vmem_shared>> -> memref<625x16xf32, #tpu.memory_space<vmem_shared>>
      tpu.enqueue_dma source(%dma_start3A_35 : memref<625x16xf32, #tpu.memory_space<vmem_shared>>) target(%arg8 : memref<625x16xf32, #tpu.memory_space<vmem>>) target_semaphore(%run_scoped3A : memref<!tpu.dma_semaphore, #tpu.memory_space<semaphore_mem>>)
      %dma_wait3A = arith.constant 0 : i32
      %dma_wait3A_36 = tpu.memref_slice %arg9[%mul3A_26, %dma_wait3A] : memref<10000x16xf32, #tpu.memory_space<vmem_shared>> -> memref<625x16xf32, #tpu.memory_space<vmem_shared>>
      %dma_wait3A_37 = arith.constant 0 : i32
      %dma_wait3A_38 = tpu.memref_slice %arg9[%mul3A_26, %dma_wait3A_37] : memref<10000x16xf32, #tpu.memory_space<vmem_shared>> -> memref<625x16xf32, #tpu.memory_space<vmem_shared>>
      tpu.wait_dma2 semaphore(%run_scoped3A : memref<!tpu.dma_semaphore, #tpu.memory_space<semaphore_mem>>) src(%dma_wait3A_38 : memref<625x16xf32, #tpu.memory_space<vmem_shared>>) dst(%arg8 : memref<625x16xf32, #tpu.memory_space<vmem>>)
      tpu.yield
    }) : () -> ()
    %mul3A_27 = arith.constant 625 : i32
    %mul3A_28 = arith.muli %arg1, %mul3A_27 : i32
    "tpu.region"() ({
      %run_scoped3A = tpu.sem_alloc : memref<!tpu.dma_semaphore, #tpu.memory_space<semaphore_mem>>
      %dma_start3A = arith.constant 0 : i32
      %dma_start3A_33 = arith.constant 0 : i32
      %dma_start3A_34 = tpu.memref_slice %arg4[%arg0, %dma_start3A, %dma_start3A_33] : memref<2x10000x16xf32, #tpu.memory_space<hbm>> -> memref<1x10000x16xf32, #tpu.memory_space<hbm>>
      %dma_start3A_35 = tpu.memref_squeeze %dma_start3A_34 : memref<1x10000x16xf32, #tpu.memory_space<hbm>> -> memref<10000x16xf32, #tpu.memory_space<hbm>>
      %dma_start3A_36 = arith.constant 0 : i32
      %dma_start3A_37 = tpu.memref_slice %dma_start3A_35[%mul3A_28, %dma_start3A_36] : memref<10000x16xf32, #tpu.memory_space<hbm>> -> memref<625x16xf32, #tpu.memory_space<hbm>>
      %dma_start3A_38 = arith.constant 0 : i32
      %dma_start3A_39 = arith.constant 0 : i32
      %dma_start3A_40 = tpu.memref_slice %arg4[%arg0, %dma_start3A_38, %dma_start3A_39] : memref<2x10000x16xf32, #tpu.memory_space<hbm>> -> memref<1x10000x16xf32, #tpu.memory_space<hbm>>
      %dma_start3A_41 = tpu.memref_squeeze %dma_start3A_40 : memref<1x10000x16xf32, #tpu.memory_space<hbm>> -> memref<10000x16xf32, #tpu.memory_space<hbm>>
      %dma_start3A_42 = arith.constant 0 : i32
      %dma_start3A_43 = tpu.memref_slice %dma_start3A_41[%mul3A_28, %dma_start3A_42] : memref<10000x16xf32, #tpu.memory_space<hbm>> -> memref<625x16xf32, #tpu.memory_space<hbm>>
      tpu.enqueue_dma source(%arg8 : memref<625x16xf32, #tpu.memory_space<vmem>>) target(%dma_start3A_43 : memref<625x16xf32, #tpu.memory_space<hbm>>) target_semaphore(%run_scoped3A : memref<!tpu.dma_semaphore, #tpu.memory_space<semaphore_mem>>)
      %dma_wait3A = arith.constant 0 : i32
      %dma_wait3A_44 = arith.constant 0 : i32
      %dma_wait3A_45 = tpu.memref_slice %arg4[%arg0, %dma_wait3A, %dma_wait3A_44] : memref<2x10000x16xf32, #tpu.memory_space<hbm>> -> memref<1x10000x16xf32, #tpu.memory_space<hbm>>
      %dma_wait3A_46 = tpu.memref_squeeze %dma_wait3A_45 : memref<1x10000x16xf32, #tpu.memory_space<hbm>> -> memref<10000x16xf32, #tpu.memory_space<hbm>>
      %dma_wait3A_47 = arith.constant 0 : i32
      %dma_wait3A_48 = tpu.memref_slice %dma_wait3A_46[%mul3A_28, %dma_wait3A_47] : memref<10000x16xf32, #tpu.memory_space<hbm>> -> memref<625x16xf32, #tpu.memory_space<hbm>>
      %dma_wait3A_49 = arith.constant 0 : i32
      %dma_wait3A_50 = arith.constant 0 : i32
      %dma_wait3A_51 = tpu.memref_slice %arg4[%arg0, %dma_wait3A_49, %dma_wait3A_50] : memref<2x10000x16xf32, #tpu.memory_space<hbm>> -> memref<1x10000x16xf32, #tpu.memory_space<hbm>>
      %dma_wait3A_52 = tpu.memref_squeeze %dma_wait3A_51 : memref<1x10000x16xf32, #tpu.memory_space<hbm>> -> memref<10000x16xf32, #tpu.memory_space<hbm>>
      %dma_wait3A_53 = arith.constant 0 : i32
      %dma_wait3A_54 = tpu.memref_slice %dma_wait3A_52[%mul3A_28, %dma_wait3A_53] : memref<10000x16xf32, #tpu.memory_space<hbm>> -> memref<625x16xf32, #tpu.memory_space<hbm>>
      tpu.wait_dma2 semaphore(%run_scoped3A : memref<!tpu.dma_semaphore, #tpu.memory_space<semaphore_mem>>) src(%arg8 : memref<625x16xf32, #tpu.memory_space<vmem>>) dst(%dma_wait3A_54 : memref<625x16xf32, #tpu.memory_space<hbm>>)
      tpu.yield
    }) : () -> ()
    %mul3A_29 = arith.constant 625 : i32
    %mul3A_30 = arith.muli %arg1, %mul3A_29 : i32
    "tpu.region"() ({
      %run_scoped3A = tpu.sem_alloc : memref<!tpu.dma_semaphore, #tpu.memory_space<semaphore_mem>>
      %dma_start3A = arith.constant 0 : i32
      %dma_start3A_33 = tpu.memref_slice %arg10[%mul3A_30, %dma_start3A] : memref<10000x16xf32, #tpu.memory_space<vmem_shared>> -> memref<625x16xf32, #tpu.memory_space<vmem_shared>>
      %dma_start3A_34 = arith.constant 0 : i32
      %dma_start3A_35 = tpu.memref_slice %arg10[%mul3A_30, %dma_start3A_34] : memref<10000x16xf32, #tpu.memory_space<vmem_shared>> -> memref<625x16xf32, #tpu.memory_space<vmem_shared>>
      tpu.enqueue_dma source(%dma_start3A_35 : memref<625x16xf32, #tpu.memory_space<vmem_shared>>) target(%arg8 : memref<625x16xf32, #tpu.memory_space<vmem>>) target_semaphore(%run_scoped3A : memref<!tpu.dma_semaphore, #tpu.memory_space<semaphore_mem>>)
      %dma_wait3A = arith.constant 0 : i32
      %dma_wait3A_36 = tpu.memref_slice %arg10[%mul3A_30, %dma_wait3A] : memref<10000x16xf32, #tpu.memory_space<vmem_shared>> -> memref<625x16xf32, #tpu.memory_space<vmem_shared>>
      %dma_wait3A_37 = arith.constant 0 : i32
      %dma_wait3A_38 = tpu.memref_slice %arg10[%mul3A_30, %dma_wait3A_37] : memref<10000x16xf32, #tpu.memory_space<vmem_shared>> -> memref<625x16xf32, #tpu.memory_space<vmem_shared>>
      tpu.wait_dma2 semaphore(%run_scoped3A : memref<!tpu.dma_semaphore, #tpu.memory_space<semaphore_mem>>) src(%dma_wait3A_38 : memref<625x16xf32, #tpu.memory_space<vmem_shared>>) dst(%arg8 : memref<625x16xf32, #tpu.memory_space<vmem>>)
      tpu.yield
    }) : () -> ()
    %mul3A_31 = arith.constant 625 : i32
    %mul3A_32 = arith.muli %arg1, %mul3A_31 : i32
    "tpu.region"() ({
      %run_scoped3A = tpu.sem_alloc : memref<!tpu.dma_semaphore, #tpu.memory_space<semaphore_mem>>
      %dma_start3A = arith.constant 0 : i32
      %dma_start3A_33 = arith.constant 0 : i32
      %dma_start3A_34 = tpu.memref_slice %arg5[%arg0, %dma_start3A, %dma_start3A_33] : memref<2x10000x16xf32, #tpu.memory_space<hbm>> -> memref<1x10000x16xf32, #tpu.memory_space<hbm>>
      %dma_start3A_35 = tpu.memref_squeeze %dma_start3A_34 : memref<1x10000x16xf32, #tpu.memory_space<hbm>> -> memref<10000x16xf32, #tpu.memory_space<hbm>>
      %dma_start3A_36 = arith.constant 0 : i32
      %dma_start3A_37 = tpu.memref_slice %dma_start3A_35[%mul3A_32, %dma_start3A_36] : memref<10000x16xf32, #tpu.memory_space<hbm>> -> memref<625x16xf32, #tpu.memory_space<hbm>>
      %dma_start3A_38 = arith.constant 0 : i32
      %dma_start3A_39 = arith.constant 0 : i32
      %dma_start3A_40 = tpu.memref_slice %arg5[%arg0, %dma_start3A_38, %dma_start3A_39] : memref<2x10000x16xf32, #tpu.memory_space<hbm>> -> memref<1x10000x16xf32, #tpu.memory_space<hbm>>
      %dma_start3A_41 = tpu.memref_squeeze %dma_start3A_40 : memref<1x10000x16xf32, #tpu.memory_space<hbm>> -> memref<10000x16xf32, #tpu.memory_space<hbm>>
      %dma_start3A_42 = arith.constant 0 : i32
      %dma_start3A_43 = tpu.memref_slice %dma_start3A_41[%mul3A_32, %dma_start3A_42] : memref<10000x16xf32, #tpu.memory_space<hbm>> -> memref<625x16xf32, #tpu.memory_space<hbm>>
      tpu.enqueue_dma source(%arg8 : memref<625x16xf32, #tpu.memory_space<vmem>>) target(%dma_start3A_43 : memref<625x16xf32, #tpu.memory_space<hbm>>) target_semaphore(%run_scoped3A : memref<!tpu.dma_semaphore, #tpu.memory_space<semaphore_mem>>)
      %dma_wait3A = arith.constant 0 : i32
      %dma_wait3A_44 = arith.constant 0 : i32
      %dma_wait3A_45 = tpu.memref_slice %arg5[%arg0, %dma_wait3A, %dma_wait3A_44] : memref<2x10000x16xf32, #tpu.memory_space<hbm>> -> memref<1x10000x16xf32, #tpu.memory_space<hbm>>
      %dma_wait3A_46 = tpu.memref_squeeze %dma_wait3A_45 : memref<1x10000x16xf32, #tpu.memory_space<hbm>> -> memref<10000x16xf32, #tpu.memory_space<hbm>>
      %dma_wait3A_47 = arith.constant 0 : i32
      %dma_wait3A_48 = tpu.memref_slice %dma_wait3A_46[%mul3A_32, %dma_wait3A_47] : memref<10000x16xf32, #tpu.memory_space<hbm>> -> memref<625x16xf32, #tpu.memory_space<hbm>>
      %dma_wait3A_49 = arith.constant 0 : i32
      %dma_wait3A_50 = arith.constant 0 : i32
      %dma_wait3A_51 = tpu.memref_slice %arg5[%arg0, %dma_wait3A_49, %dma_wait3A_50] : memref<2x10000x16xf32, #tpu.memory_space<hbm>> -> memref<1x10000x16xf32, #tpu.memory_space<hbm>>
      %dma_wait3A_52 = tpu.memref_squeeze %dma_wait3A_51 : memref<1x10000x16xf32, #tpu.memory_space<hbm>> -> memref<10000x16xf32, #tpu.memory_space<hbm>>
      %dma_wait3A_53 = arith.constant 0 : i32
      %dma_wait3A_54 = tpu.memref_slice %dma_wait3A_52[%mul3A_32, %dma_wait3A_53] : memref<10000x16xf32, #tpu.memory_space<hbm>> -> memref<625x16xf32, #tpu.memory_space<hbm>>
      tpu.wait_dma2 semaphore(%run_scoped3A : memref<!tpu.dma_semaphore, #tpu.memory_space<semaphore_mem>>) src(%arg8 : memref<625x16xf32, #tpu.memory_space<vmem>>) dst(%dma_wait3A_54 : memref<625x16xf32, #tpu.memory_space<hbm>>)
      tpu.yield
    }) : () -> ()
    return
  }
}

#map = affine_map<(d0, d1) -> (0, 0)>
module attributes {stable_mosaic.version = 14 : i64} {
  func.func @_sc_gather_body(%arg0: i32, %arg1: i32, %arg2: memref<10000x16xf32, #tpu.memory_space<hbm>>, %arg3: memref<4000x80xi32, #tpu.memory_space<hbm>>, %arg4: memref<320000x16xf32, #tpu.memory_space<hbm>>, %arg5: memref<125x80xi32, #tpu.memory_space<vmem>>, %arg6: memref<80x16xf32, #tpu.memory_space<vmem>>, %arg7: memref<!tpu.dma_semaphore, #tpu.memory_space<semaphore_mem>>) attributes {dimension_semantics = [#tpu.dimension_semantics<core_parallel>, #tpu.dimension_semantics<subcore_parallel>], iteration_bounds = array<i64: 2, 16>, scalar_prefetch = 0 : i64, scratch_operands = 3 : i64, tpu.core_type = #tpu.core_type<sc_vector_subcore>, window_params = [{transform_indices = #map}, {transform_indices = #map}, {transform_indices = #map}]} {
    %mul3A = arith.constant 2 : i32
    %mul3A_0 = arith.muli %arg1, %mul3A : i32
    %add3A = arith.addi %mul3A_0, %arg0 : i32
    %mul3A_1 = arith.constant 125 : i32
    %mul3A_2 = arith.muli %add3A, %mul3A_1 : i32
    "tpu.region"() ({
      %run_scoped3A = tpu.sem_alloc : memref<!tpu.dma_semaphore, #tpu.memory_space<semaphore_mem>>
      %dma_start3A = arith.constant 0 : i32
      %dma_start3A_8 = tpu.memref_slice %arg3[%mul3A_2, %dma_start3A] : memref<4000x80xi32, #tpu.memory_space<hbm>> -> memref<125x80xi32, #tpu.memory_space<hbm>>
      %dma_start3A_9 = arith.constant 0 : i32
      %dma_start3A_10 = tpu.memref_slice %arg3[%mul3A_2, %dma_start3A_9] : memref<4000x80xi32, #tpu.memory_space<hbm>> -> memref<125x80xi32, #tpu.memory_space<hbm>>
      tpu.enqueue_dma source(%dma_start3A_10 : memref<125x80xi32, #tpu.memory_space<hbm>>) target(%arg5 : memref<125x80xi32, #tpu.memory_space<vmem>>) target_semaphore(%run_scoped3A : memref<!tpu.dma_semaphore, #tpu.memory_space<semaphore_mem>>)
      %dma_wait3A = arith.constant 0 : i32
      %dma_wait3A_11 = tpu.memref_slice %arg3[%mul3A_2, %dma_wait3A] : memref<4000x80xi32, #tpu.memory_space<hbm>> -> memref<125x80xi32, #tpu.memory_space<hbm>>
      %dma_wait3A_12 = arith.constant 0 : i32
      %dma_wait3A_13 = tpu.memref_slice %arg3[%mul3A_2, %dma_wait3A_12] : memref<4000x80xi32, #tpu.memory_space<hbm>> -> memref<125x80xi32, #tpu.memory_space<hbm>>
      tpu.wait_dma2 semaphore(%run_scoped3A : memref<!tpu.dma_semaphore, #tpu.memory_space<semaphore_mem>>) src(%dma_wait3A_13 : memref<125x80xi32, #tpu.memory_space<hbm>>) dst(%arg5 : memref<125x80xi32, #tpu.memory_space<vmem>>)
      tpu.yield
    }) : () -> ()
    %scan3A = arith.constant 0 : i32
    %scan3A_3 = arith.constant 0 : i32
    %scan3A_4 = arith.constant 125 : i32
    %scan3A_5 = arith.addi %scan3A_3, %scan3A_4 : i32
    %scan3A_6 = arith.constant 1 : i32
    scf.for %scan3A_8 = %scan3A_3 to %scan3A_5 step %scan3A_6  : i32 {
      %dma_start3A = arith.constant 0 : i32
      %dma_start3A_9 = tpu.memref_slice %arg5[%scan3A_8, %dma_start3A] : memref<125x80xi32, #tpu.memory_space<vmem>> -> memref<1x80xi32, #tpu.memory_space<vmem>>
      %dma_start3A_10 = tpu.memref_squeeze %dma_start3A_9 : memref<1x80xi32, #tpu.memory_space<vmem>> -> memref<80xi32, #tpu.memory_space<vmem>>
      %dma_start3A_11 = arith.constant 0 : i32
      %dma_start3A_12 = arith.constant 0 : i32
      %dma_start3A_13 = tpu.memref_slice %arg2[%dma_start3A_11, %dma_start3A_12] : memref<10000x16xf32, #tpu.memory_space<hbm>> -> memref<10000x16xf32, #tpu.memory_space<hbm>>
      tpu.enqueue_indirect_dma source(%dma_start3A_13 : memref<10000x16xf32, #tpu.memory_space<hbm>>) target(%arg6 : memref<80x16xf32, #tpu.memory_space<vmem>>) offsets(%dma_start3A_10 : memref<80xi32, #tpu.memory_space<vmem>>) semaphore(%arg7 : memref<!tpu.dma_semaphore, #tpu.memory_space<semaphore_mem>>)
      %dma_wait3A = arith.constant 0 : i32
      %dma_wait3A_14 = tpu.memref_slice %arg5[%scan3A_8, %dma_wait3A] : memref<125x80xi32, #tpu.memory_space<vmem>> -> memref<1x80xi32, #tpu.memory_space<vmem>>
      %dma_wait3A_15 = tpu.memref_squeeze %dma_wait3A_14 : memref<1x80xi32, #tpu.memory_space<vmem>> -> memref<80xi32, #tpu.memory_space<vmem>>
      %dma_wait3A_16 = arith.constant 0 : i32
      %dma_wait3A_17 = arith.constant 0 : i32
      %dma_wait3A_18 = tpu.memref_slice %arg2[%dma_wait3A_16, %dma_wait3A_17] : memref<10000x16xf32, #tpu.memory_space<hbm>> -> memref<10000x16xf32, #tpu.memory_space<hbm>>
      tpu.wait_indirect_dma semaphore(%arg7 : memref<!tpu.dma_semaphore, #tpu.memory_space<semaphore_mem>>) src(%dma_wait3A_18 : memref<10000x16xf32, #tpu.memory_space<hbm>>) dst(%arg6 : memref<80x16xf32, #tpu.memory_space<vmem>>)
      %mul3A_19 = arith.constant 10000 : i32
      %mul3A_20 = arith.muli %add3A, %mul3A_19 : i32
      %mul3A_21 = arith.constant 80 : i32
      %mul3A_22 = arith.muli %scan3A_8, %mul3A_21 : i32
      %add3A_23 = arith.addi %mul3A_20, %mul3A_22 : i32
      "tpu.region"() ({
        %run_scoped3A = tpu.sem_alloc : memref<!tpu.dma_semaphore, #tpu.memory_space<semaphore_mem>>
        %dma_start3A_24 = arith.constant 0 : i32
        %dma_start3A_25 = tpu.memref_slice %arg4[%add3A_23, %dma_start3A_24] : memref<320000x16xf32, #tpu.memory_space<hbm>> -> memref<80x16xf32, #tpu.memory_space<hbm>>
        %dma_start3A_26 = arith.constant 0 : i32
        %dma_start3A_27 = tpu.memref_slice %arg4[%add3A_23, %dma_start3A_26] : memref<320000x16xf32, #tpu.memory_space<hbm>> -> memref<80x16xf32, #tpu.memory_space<hbm>>
        tpu.enqueue_dma source(%arg6 : memref<80x16xf32, #tpu.memory_space<vmem>>) target(%dma_start3A_27 : memref<80x16xf32, #tpu.memory_space<hbm>>) target_semaphore(%run_scoped3A : memref<!tpu.dma_semaphore, #tpu.memory_space<semaphore_mem>>)
        %dma_wait3A_28 = arith.constant 0 : i32
        %dma_wait3A_29 = tpu.memref_slice %arg4[%add3A_23, %dma_wait3A_28] : memref<320000x16xf32, #tpu.memory_space<hbm>> -> memref<80x16xf32, #tpu.memory_space<hbm>>
        %dma_wait3A_30 = arith.constant 0 : i32
        %dma_wait3A_31 = tpu.memref_slice %arg4[%add3A_23, %dma_wait3A_30] : memref<320000x16xf32, #tpu.memory_space<hbm>> -> memref<80x16xf32, #tpu.memory_space<hbm>>
        tpu.wait_dma2 semaphore(%run_scoped3A : memref<!tpu.dma_semaphore, #tpu.memory_space<semaphore_mem>>) src(%arg6 : memref<80x16xf32, #tpu.memory_space<vmem>>) dst(%dma_wait3A_31 : memref<80x16xf32, #tpu.memory_space<hbm>>)
        tpu.yield
      }) : () -> ()
    }
    %scan3A_7 = arith.constant 125 : i32
    return
  }
}

#map = affine_map<(d0, d1) -> (0, 0)>
#map1 = affine_map<(d0, d1) -> (0, 0, 0)>
module attributes {stable_mosaic.version = 14 : i64} {
  func.func @_sc_scatter_body(%arg0: i32, %arg1: i32, %arg2: memref<320000x16xf32, #tpu.memory_space<hbm>>, %arg3: memref<4000x80xi32, #tpu.memory_space<hbm>>, %arg4: memref<2x10000x16xf32, #tpu.memory_space<hbm>>, %arg5: memref<2x10000x16xf32, #tpu.memory_space<hbm>>, %arg6: memref<125x80xi32, #tpu.memory_space<vmem>>, %arg7: memref<80x16xf32, #tpu.memory_space<vmem>>, %arg8: memref<625x16xf32, #tpu.memory_space<vmem>>, %arg9: memref<10000x16xf32, #tpu.memory_space<vmem_shared>>, %arg10: memref<10000x16xf32, #tpu.memory_space<vmem_shared>>) attributes {dimension_semantics = [#tpu.dimension_semantics<core_parallel>, #tpu.dimension_semantics<subcore_parallel>], iteration_bounds = array<i64: 2, 16>, scalar_prefetch = 0 : i64, scratch_operands = 5 : i64, tpu.core_type = #tpu.core_type<sc_vector_subcore>, window_params = [{transform_indices = #map}, {transform_indices = #map}, {transform_indices = #map1}, {transform_indices = #map1}]} {
    %mul3A = arith.constant 2 : i32
    %mul3A_0 = arith.muli %arg1, %mul3A : i32
    %add3A = arith.addi %mul3A_0, %arg0 : i32
    %scan3A = arith.constant 0 : i32
    %scan3A_1 = arith.constant 0 : i32
    %scan3A_2 = arith.constant 80 : i32
    %scan3A_3 = arith.addi %scan3A_1, %scan3A_2 : i32
    %scan3A_4 = arith.constant 1 : i32
    scf.for %scan3A_33 = %scan3A_1 to %scan3A_3 step %scan3A_4  : i32 {
      %broadcast_in_dim3A = arith.constant 1.000000e+00 : f32
      %broadcast_in_dim3A_34 = vector.broadcast %broadcast_in_dim3A : f32 to vector<16xf32>
      %swap3A = arith.index_cast %scan3A_33 : i32 to index
      %swap3A_35 = arith.constant 0 : index
      %swap3A_36 = tpu.vector_load %arg7[%swap3A, %swap3A_35] {strides = array<i32>} : memref<80x16xf32, #tpu.memory_space<vmem>>, vector<1x16xf32>,
      %swap3A_37 = vector.shape_cast %swap3A_36 : vector<1x16xf32> to vector<16xf32>
      %swap3A_38 = vector.shape_cast %broadcast_in_dim3A_34 : vector<16xf32> to vector<1x16xf32>
      tpu.vector_store %arg7[%swap3A, %swap3A_35], %swap3A_38 {strides = array<i32>} : memref<80x16xf32, #tpu.memory_space<vmem>>, vector<1x16xf32>,
    }
    %scan3A_5 = arith.constant 80 : i32
    %scan3A_6 = arith.constant 0 : i32
    %scan3A_7 = arith.constant 0 : i32
    %scan3A_8 = arith.constant 625 : i32
    %scan3A_9 = arith.addi %scan3A_7, %scan3A_8 : i32
    %scan3A_10 = arith.constant 1 : i32
    scf.for %scan3A_33 = %scan3A_7 to %scan3A_9 step %scan3A_10  : i32 {
      %broadcast_in_dim3A = arith.constant 0.000000e+00 : f32
      %broadcast_in_dim3A_34 = vector.broadcast %broadcast_in_dim3A : f32 to vector<16xf32>
      %swap3A = arith.index_cast %scan3A_33 : i32 to index
      %swap3A_35 = arith.constant 0 : index
      %swap3A_36 = tpu.vector_load %arg8[%swap3A, %swap3A_35] {strides = array<i32>} : memref<625x16xf32, #tpu.memory_space<vmem>>, vector<1x16xf32>,
      %swap3A_37 = vector.shape_cast %swap3A_36 : vector<1x16xf32> to vector<16xf32>
      %swap3A_38 = vector.shape_cast %broadcast_in_dim3A_34 : vector<16xf32> to vector<1x16xf32>
      tpu.vector_store %arg8[%swap3A, %swap3A_35], %swap3A_38 {strides = array<i32>} : memref<625x16xf32, #tpu.memory_space<vmem>>, vector<1x16xf32>,
    }
    %scan3A_11 = arith.constant 625 : i32
    %mul3A_12 = arith.constant 625 : i32
    %mul3A_13 = arith.muli %arg1, %mul3A_12 : i32
    "tpu.region"() ({
      %run_scoped3A = tpu.sem_alloc : memref<!tpu.dma_semaphore, #tpu.memory_space<semaphore_mem>>
      %dma_start3A = arith.constant 0 : i32
      %dma_start3A_33 = tpu.memref_slice %arg9[%mul3A_13, %dma_start3A] : memref<10000x16xf32, #tpu.memory_space<vmem_shared>> -> memref<625x16xf32, #tpu.memory_space<vmem_shared>>
      %dma_start3A_34 = arith.constant 0 : i32
      %dma_start3A_35 = tpu.memref_slice %arg9[%mul3A_13, %dma_start3A_34] : memref<10000x16xf32, #tpu.memory_space<vmem_shared>> -> memref<625x16xf32, #tpu.memory_space<vmem_shared>>
      tpu.enqueue_dma source(%arg8 : memref<625x16xf32, #tpu.memory_space<vmem>>) target(%dma_start3A_35 : memref<625x16xf32, #tpu.memory_space<vmem_shared>>) target_semaphore(%run_scoped3A : memref<!tpu.dma_semaphore, #tpu.memory_space<semaphore_mem>>)
      %dma_wait3A = arith.constant 0 : i32
      %dma_wait3A_36 = tpu.memref_slice %arg9[%mul3A_13, %dma_wait3A] : memref<10000x16xf32, #tpu.memory_space<vmem_shared>> -> memref<625x16xf32, #tpu.memory_space<vmem_shared>>
      %dma_wait3A_37 = arith.constant 0 : i32
      %dma_wait3A_38 = tpu.memref_slice %arg9[%mul3A_13, %dma_wait3A_37] : memref<10000x16xf32, #tpu.memory_space<vmem_shared>> -> memref<625x16xf32, #tpu.memory_space<vmem_shared>>
      tpu.wait_dma2 semaphore(%run_scoped3A : memref<!tpu.dma_semaphore, #tpu.memory_space<semaphore_mem>>) src(%arg8 : memref<625x16xf32, #tpu.memory_space<vmem>>) dst(%dma_wait3A_38 : memref<625x16xf32, #tpu.memory_space<vmem_shared>>)
      tpu.yield
    }) : () -> ()
    %mul3A_14 = arith.constant 625 : i32
    %mul3A_15 = arith.muli %arg1, %mul3A_14 : i32
    "tpu.region"() ({
      %run_scoped3A = tpu.sem_alloc : memref<!tpu.dma_semaphore, #tpu.memory_space<semaphore_mem>>
      %dma_start3A = arith.constant 0 : i32
      %dma_start3A_33 = tpu.memref_slice %arg10[%mul3A_15, %dma_start3A] : memref<10000x16xf32, #tpu.memory_space<vmem_shared>> -> memref<625x16xf32, #tpu.memory_space<vmem_shared>>
      %dma_start3A_34 = arith.constant 0 : i32
      %dma_start3A_35 = tpu.memref_slice %arg10[%mul3A_15, %dma_start3A_34] : memref<10000x16xf32, #tpu.memory_space<vmem_shared>> -> memref<625x16xf32, #tpu.memory_space<vmem_shared>>
      tpu.enqueue_dma source(%arg8 : memref<625x16xf32, #tpu.memory_space<vmem>>) target(%dma_start3A_35 : memref<625x16xf32, #tpu.memory_space<vmem_shared>>) target_semaphore(%run_scoped3A : memref<!tpu.dma_semaphore, #tpu.memory_space<semaphore_mem>>)
      %dma_wait3A = arith.constant 0 : i32
      %dma_wait3A_36 = tpu.memref_slice %arg10[%mul3A_15, %dma_wait3A] : memref<10000x16xf32, #tpu.memory_space<vmem_shared>> -> memref<625x16xf32, #tpu.memory_space<vmem_shared>>
      %dma_wait3A_37 = arith.constant 0 : i32
      %dma_wait3A_38 = tpu.memref_slice %arg10[%mul3A_15, %dma_wait3A_37] : memref<10000x16xf32, #tpu.memory_space<vmem_shared>> -> memref<625x16xf32, #tpu.memory_space<vmem_shared>>
      tpu.wait_dma2 semaphore(%run_scoped3A : memref<!tpu.dma_semaphore, #tpu.memory_space<semaphore_mem>>) src(%arg8 : memref<625x16xf32, #tpu.memory_space<vmem>>) dst(%dma_wait3A_38 : memref<625x16xf32, #tpu.memory_space<vmem_shared>>)
      tpu.yield
    }) : () -> ()
    %barrier3A = arith.constant 0 : index
    tpu.barrier barrier_id(%barrier3A)
    %mul3A_16 = arith.constant 125 : i32
    %mul3A_17 = arith.muli %add3A, %mul3A_16 : i32
    "tpu.region"() ({
      %run_scoped3A = tpu.sem_alloc : memref<!tpu.dma_semaphore, #tpu.memory_space<semaphore_mem>>
      %dma_start3A = arith.constant 0 : i32
      %dma_start3A_33 = tpu.memref_slice %arg3[%mul3A_17, %dma_start3A] : memref<4000x80xi32, #tpu.memory_space<hbm>> -> memref<125x80xi32, #tpu.memory_space<hbm>>
      %dma_start3A_34 = arith.constant 0 : i32
      %dma_start3A_35 = tpu.memref_slice %arg3[%mul3A_17, %dma_start3A_34] : memref<4000x80xi32, #tpu.memory_space<hbm>> -> memref<125x80xi32, #tpu.memory_space<hbm>>
      tpu.enqueue_dma source(%dma_start3A_35 : memref<125x80xi32, #tpu.memory_space<hbm>>) target(%arg6 : memref<125x80xi32, #tpu.memory_space<vmem>>) target_semaphore(%run_scoped3A : memref<!tpu.dma_semaphore, #tpu.memory_space<semaphore_mem>>)
      %dma_wait3A = arith.constant 0 : i32
      %dma_wait3A_36 = tpu.memref_slice %arg3[%mul3A_17, %dma_wait3A] : memref<4000x80xi32, #tpu.memory_space<hbm>> -> memref<125x80xi32, #tpu.memory_space<hbm>>
      %dma_wait3A_37 = arith.constant 0 : i32
      %dma_wait3A_38 = tpu.memref_slice %arg3[%mul3A_17, %dma_wait3A_37] : memref<4000x80xi32, #tpu.memory_space<hbm>> -> memref<125x80xi32, #tpu.memory_space<hbm>>
      tpu.wait_dma2 semaphore(%run_scoped3A : memref<!tpu.dma_semaphore, #tpu.memory_space<semaphore_mem>>) src(%dma_wait3A_38 : memref<125x80xi32, #tpu.memory_space<hbm>>) dst(%arg6 : memref<125x80xi32, #tpu.memory_space<vmem>>)
      tpu.yield
    }) : () -> ()
    %scan3A_18 = arith.constant 0 : i32
    %scan3A_19 = arith.constant 0 : i32
    %scan3A_20 = arith.constant 125 : i32
    %scan3A_21 = arith.addi %scan3A_19, %scan3A_20 : i32
    %scan3A_22 = arith.constant 1 : i32
    scf.for %scan3A_33 = %scan3A_19 to %scan3A_21 step %scan3A_22  : i32 {
      %mul3A_34 = arith.constant 10000 : i32
      %mul3A_35 = arith.muli %add3A, %mul3A_34 : i32
      %mul3A_36 = arith.constant 80 : i32
      %mul3A_37 = arith.muli %scan3A_33, %mul3A_36 : i32
      %add3A_38 = arith.addi %mul3A_35, %mul3A_37 : i32
      "tpu.region"() ({
        %run_scoped3A = tpu.sem_alloc : memref<!tpu.dma_semaphore, #tpu.memory_space<semaphore_mem>>
        %dma_start3A = arith.constant 0 : i32
        %dma_start3A_39 = arith.constant 0 : i32
        %dma_start3A_40 = tpu.memref_slice %arg8[%dma_start3A, %dma_start3A_39] : memref<625x16xf32, #tpu.memory_space<vmem>> -> memref<80x16xf32, #tpu.memory_space<vmem>>
        %dma_start3A_41 = arith.constant 0 : i32
        %dma_start3A_42 = tpu.memref_slice %arg2[%add3A_38, %dma_start3A_41] : memref<320000x16xf32, #tpu.memory_space<hbm>> -> memref<80x16xf32, #tpu.memory_space<hbm>>
        %dma_start3A_43 = arith.constant 0 : i32
        %dma_start3A_44 = arith.constant 0 : i32
        %dma_start3A_45 = tpu.memref_slice %arg8[%dma_start3A_43, %dma_start3A_44] : memref<625x16xf32, #tpu.memory_space<vmem>> -> memref<80x16xf32, #tpu.memory_space<vmem>>
        %dma_start3A_46 = arith.constant 0 : i32
        %dma_start3A_47 = tpu.memref_slice %arg2[%add3A_38, %dma_start3A_46] : memref<320000x16xf32, #tpu.memory_space<hbm>> -> memref<80x16xf32, #tpu.memory_space<hbm>>
        tpu.enqueue_dma source(%dma_start3A_47 : memref<80x16xf32, #tpu.memory_space<hbm>>) target(%dma_start3A_45 : memref<80x16xf32, #tpu.memory_space<vmem>>) target_semaphore(%run_scoped3A : memref<!tpu.dma_semaphore, #tpu.memory_space<semaphore_mem>>)
        %dma_wait3A = arith.constant 0 : i32
        %dma_wait3A_48 = arith.constant 0 : i32
        %dma_wait3A_49 = tpu.memref_slice %arg8[%dma_wait3A, %dma_wait3A_48] : memref<625x16xf32, #tpu.memory_space<vmem>> -> memref<80x16xf32, #tpu.memory_space<vmem>>
        %dma_wait3A_50 = arith.constant 0 : i32
        %dma_wait3A_51 = tpu.memref_slice %arg2[%add3A_38, %dma_wait3A_50] : memref<320000x16xf32, #tpu.memory_space<hbm>> -> memref<80x16xf32, #tpu.memory_space<hbm>>
        %dma_wait3A_52 = arith.constant 0 : i32
        %dma_wait3A_53 = arith.constant 0 : i32
        %dma_wait3A_54 = tpu.memref_slice %arg8[%dma_wait3A_52, %dma_wait3A_53] : memref<625x16xf32, #tpu.memory_space<vmem>> -> memref<80x16xf32, #tpu.memory_space<vmem>>
        %dma_wait3A_55 = arith.constant 0 : i32
        %dma_wait3A_56 = tpu.memref_slice %arg2[%add3A_38, %dma_wait3A_55] : memref<320000x16xf32, #tpu.memory_space<hbm>> -> memref<80x16xf32, #tpu.memory_space<hbm>>
        tpu.wait_dma2 semaphore(%run_scoped3A : memref<!tpu.dma_semaphore, #tpu.memory_space<semaphore_mem>>) src(%dma_wait3A_56 : memref<80x16xf32, #tpu.memory_space<hbm>>) dst(%dma_wait3A_54 : memref<80x16xf32, #tpu.memory_space<vmem>>)
        tpu.yield
      }) : () -> ()
      "tpu.region"() ({
        %run_scoped3A = tpu.sem_alloc : memref<!tpu.dma_semaphore, #tpu.memory_space<semaphore_mem>>
        %dma_start3A = arith.constant 0 : i32
        %dma_start3A_39 = arith.constant 0 : i32
        %dma_start3A_40 = tpu.memref_slice %arg8[%dma_start3A, %dma_start3A_39] : memref<625x16xf32, #tpu.memory_space<vmem>> -> memref<80x16xf32, #tpu.memory_space<vmem>>
        %dma_start3A_41 = arith.constant 0 : i32
        %dma_start3A_42 = tpu.memref_slice %arg6[%scan3A_33, %dma_start3A_41] : memref<125x80xi32, #tpu.memory_space<vmem>> -> memref<1x80xi32, #tpu.memory_space<vmem>>
        %dma_start3A_43 = tpu.memref_squeeze %dma_start3A_42 : memref<1x80xi32, #tpu.memory_space<vmem>> -> memref<80xi32, #tpu.memory_space<vmem>>
        %dma_start3A_44 = arith.constant 0 : i32
        %dma_start3A_45 = arith.constant 0 : i32
        %dma_start3A_46 = tpu.memref_slice %arg9[%dma_start3A_44, %dma_start3A_45] : memref<10000x16xf32, #tpu.memory_space<vmem_shared>> -> memref<10000x16xf32, #tpu.memory_space<vmem_shared>>
        tpu.enqueue_indirect_dma source(%dma_start3A_40 : memref<80x16xf32, #tpu.memory_space<vmem>>) target(%dma_start3A_46 : memref<10000x16xf32, #tpu.memory_space<vmem_shared>>) offsets(%dma_start3A_43 : memref<80xi32, #tpu.memory_space<vmem>>) semaphore(%run_scoped3A : memref<!tpu.dma_semaphore, #tpu.memory_space<semaphore_mem>>) {add = true}
        %dma_wait3A = arith.constant 0 : i32
        %dma_wait3A_47 = arith.constant 0 : i32
        %dma_wait3A_48 = tpu.memref_slice %arg8[%dma_wait3A, %dma_wait3A_47] : memref<625x16xf32, #tpu.memory_space<vmem>> -> memref<80x16xf32, #tpu.memory_space<vmem>>
        %dma_wait3A_49 = arith.constant 0 : i32
        %dma_wait3A_50 = tpu.memref_slice %arg6[%scan3A_33, %dma_wait3A_49] : memref<125x80xi32, #tpu.memory_space<vmem>> -> memref<1x80xi32, #tpu.memory_space<vmem>>
        %dma_wait3A_51 = tpu.memref_squeeze %dma_wait3A_50 : memref<1x80xi32, #tpu.memory_space<vmem>> -> memref<80xi32, #tpu.memory_space<vmem>>
        %dma_wait3A_52 = arith.constant 0 : i32
        %dma_wait3A_53 = arith.constant 0 : i32
        %dma_wait3A_54 = tpu.memref_slice %arg9[%dma_wait3A_52, %dma_wait3A_53] : memref<10000x16xf32, #tpu.memory_space<vmem_shared>> -> memref<10000x16xf32, #tpu.memory_space<vmem_shared>>
        tpu.wait_indirect_dma semaphore(%run_scoped3A : memref<!tpu.dma_semaphore, #tpu.memory_space<semaphore_mem>>) src(%dma_wait3A_48 : memref<80x16xf32, #tpu.memory_space<vmem>>) dst(%dma_wait3A_54 : memref<10000x16xf32, #tpu.memory_space<vmem_shared>>)
        tpu.yield
      }) : () -> ()
      "tpu.region"() ({
        %run_scoped3A = tpu.sem_alloc : memref<!tpu.dma_semaphore, #tpu.memory_space<semaphore_mem>>
        %dma_start3A = arith.constant 0 : i32
        %dma_start3A_39 = tpu.memref_slice %arg6[%scan3A_33, %dma_start3A] : memref<125x80xi32, #tpu.memory_space<vmem>> -> memref<1x80xi32, #tpu.memory_space<vmem>>
        %dma_start3A_40 = tpu.memref_squeeze %dma_start3A_39 : memref<1x80xi32, #tpu.memory_space<vmem>> -> memref<80xi32, #tpu.memory_space<vmem>>
        %dma_start3A_41 = arith.constant 0 : i32
        %dma_start3A_42 = arith.constant 0 : i32
        %dma_start3A_43 = tpu.memref_slice %arg10[%dma_start3A_41, %dma_start3A_42] : memref<10000x16xf32, #tpu.memory_space<vmem_shared>> -> memref<10000x16xf32, #tpu.memory_space<vmem_shared>>
        tpu.enqueue_indirect_dma source(%arg7 : memref<80x16xf32, #tpu.memory_space<vmem>>) target(%dma_start3A_43 : memref<10000x16xf32, #tpu.memory_space<vmem_shared>>) offsets(%dma_start3A_40 : memref<80xi32, #tpu.memory_space<vmem>>) semaphore(%run_scoped3A : memref<!tpu.dma_semaphore, #tpu.memory_space<semaphore_mem>>) {add = true}
        %dma_wait3A = arith.constant 0 : i32
        %dma_wait3A_44 = tpu.memref_slice %arg6[%scan3A_33, %dma_wait3A] : memref<125x80xi32, #tpu.memory_space<vmem>> -> memref<1x80xi32, #tpu.memory_space<vmem>>
        %dma_wait3A_45 = tpu.memref_squeeze %dma_wait3A_44 : memref<1x80xi32, #tpu.memory_space<vmem>> -> memref<80xi32, #tpu.memory_space<vmem>>
        %dma_wait3A_46 = arith.constant 0 : i32
        %dma_wait3A_47 = arith.constant 0 : i32
        %dma_wait3A_48 = tpu.memref_slice %arg10[%dma_wait3A_46, %dma_wait3A_47] : memref<10000x16xf32, #tpu.memory_space<vmem_shared>> -> memref<10000x16xf32, #tpu.memory_space<vmem_shared>>
        tpu.wait_indirect_dma semaphore(%run_scoped3A : memref<!tpu.dma_semaphore, #tpu.memory_space<semaphore_mem>>) src(%arg7 : memref<80x16xf32, #tpu.memory_space<vmem>>) dst(%dma_wait3A_48 : memref<10000x16xf32, #tpu.memory_space<vmem_shared>>)
        tpu.yield
      }) : () -> ()
    }
    %scan3A_23 = arith.constant 125 : i32
    %barrier3A_24 = arith.constant 0 : index
    tpu.barrier barrier_id(%barrier3A_24)
    %mul3A_25 = arith.constant 625 : i32
    %mul3A_26 = arith.muli %arg1, %mul3A_25 : i32
    "tpu.region"() ({
      %run_scoped3A = tpu.sem_alloc : memref<!tpu.dma_semaphore, #tpu.memory_space<semaphore_mem>>
      %dma_start3A = arith.constant 0 : i32
      %dma_start3A_33 = tpu.memref_slice %arg9[%mul3A_26, %dma_start3A] : memref<10000x16xf32, #tpu.memory_space<vmem_shared>> -> memref<625x16xf32, #tpu.memory_space<vmem_shared>>
      %dma_start3A_34 = arith.constant 0 : i32
      %dma_start3A_35 = tpu.memref_slice %arg9[%mul3A_26, %dma_start3A_34] : memref<10000x16xf32, #tpu.memory_space<vmem_shared>> -> memref<625x16xf32, #tpu.memory_space<vmem_shared>>
      tpu.enqueue_dma source(%dma_start3A_35 : memref<625x16xf32, #tpu.memory_space<vmem_shared>>) target(%arg8 : memref<625x16xf32, #tpu.memory_space<vmem>>) target_semaphore(%run_scoped3A : memref<!tpu.dma_semaphore, #tpu.memory_space<semaphore_mem>>)
      %dma_wait3A = arith.constant 0 : i32
      %dma_wait3A_36 = tpu.memref_slice %arg9[%mul3A_26, %dma_wait3A] : memref<10000x16xf32, #tpu.memory_space<vmem_shared>> -> memref<625x16xf32, #tpu.memory_space<vmem_shared>>
      %dma_wait3A_37 = arith.constant 0 : i32
      %dma_wait3A_38 = tpu.memref_slice %arg9[%mul3A_26, %dma_wait3A_37] : memref<10000x16xf32, #tpu.memory_space<vmem_shared>> -> memref<625x16xf32, #tpu.memory_space<vmem_shared>>
      tpu.wait_dma2 semaphore(%run_scoped3A : memref<!tpu.dma_semaphore, #tpu.memory_space<semaphore_mem>>) src(%dma_wait3A_38 : memref<625x16xf32, #tpu.memory_space<vmem_shared>>) dst(%arg8 : memref<625x16xf32, #tpu.memory_space<vmem>>)
      tpu.yield
    }) : () -> ()
    %mul3A_27 = arith.constant 625 : i32
    %mul3A_28 = arith.muli %arg1, %mul3A_27 : i32
    "tpu.region"() ({
      %run_scoped3A = tpu.sem_alloc : memref<!tpu.dma_semaphore, #tpu.memory_space<semaphore_mem>>
      %dma_start3A = arith.constant 0 : i32
      %dma_start3A_33 = arith.constant 0 : i32
      %dma_start3A_34 = tpu.memref_slice %arg4[%arg0, %dma_start3A, %dma_start3A_33] : memref<2x10000x16xf32, #tpu.memory_space<hbm>> -> memref<1x10000x16xf32, #tpu.memory_space<hbm>>
      %dma_start3A_35 = tpu.memref_squeeze %dma_start3A_34 : memref<1x10000x16xf32, #tpu.memory_space<hbm>> -> memref<10000x16xf32, #tpu.memory_space<hbm>>
      %dma_start3A_36 = arith.constant 0 : i32
      %dma_start3A_37 = tpu.memref_slice %dma_start3A_35[%mul3A_28, %dma_start3A_36] : memref<10000x16xf32, #tpu.memory_space<hbm>> -> memref<625x16xf32, #tpu.memory_space<hbm>>
      %dma_start3A_38 = arith.constant 0 : i32
      %dma_start3A_39 = arith.constant 0 : i32
      %dma_start3A_40 = tpu.memref_slice %arg4[%arg0, %dma_start3A_38, %dma_start3A_39] : memref<2x10000x16xf32, #tpu.memory_space<hbm>> -> memref<1x10000x16xf32, #tpu.memory_space<hbm>>
      %dma_start3A_41 = tpu.memref_squeeze %dma_start3A_40 : memref<1x10000x16xf32, #tpu.memory_space<hbm>> -> memref<10000x16xf32, #tpu.memory_space<hbm>>
      %dma_start3A_42 = arith.constant 0 : i32
      %dma_start3A_43 = tpu.memref_slice %dma_start3A_41[%mul3A_28, %dma_start3A_42] : memref<10000x16xf32, #tpu.memory_space<hbm>> -> memref<625x16xf32, #tpu.memory_space<hbm>>
      tpu.enqueue_dma source(%arg8 : memref<625x16xf32, #tpu.memory_space<vmem>>) target(%dma_start3A_43 : memref<625x16xf32, #tpu.memory_space<hbm>>) target_semaphore(%run_scoped3A : memref<!tpu.dma_semaphore, #tpu.memory_space<semaphore_mem>>)
      %dma_wait3A = arith.constant 0 : i32
      %dma_wait3A_44 = arith.constant 0 : i32
      %dma_wait3A_45 = tpu.memref_slice %arg4[%arg0, %dma_wait3A, %dma_wait3A_44] : memref<2x10000x16xf32, #tpu.memory_space<hbm>> -> memref<1x10000x16xf32, #tpu.memory_space<hbm>>
      %dma_wait3A_46 = tpu.memref_squeeze %dma_wait3A_45 : memref<1x10000x16xf32, #tpu.memory_space<hbm>> -> memref<10000x16xf32, #tpu.memory_space<hbm>>
      %dma_wait3A_47 = arith.constant 0 : i32
      %dma_wait3A_48 = tpu.memref_slice %dma_wait3A_46[%mul3A_28, %dma_wait3A_47] : memref<10000x16xf32, #tpu.memory_space<hbm>> -> memref<625x16xf32, #tpu.memory_space<hbm>>
      %dma_wait3A_49 = arith.constant 0 : i32
      %dma_wait3A_50 = arith.constant 0 : i32
      %dma_wait3A_51 = tpu.memref_slice %arg4[%arg0, %dma_wait3A_49, %dma_wait3A_50] : memref<2x10000x16xf32, #tpu.memory_space<hbm>> -> memref<1x10000x16xf32, #tpu.memory_space<hbm>>
      %dma_wait3A_52 = tpu.memref_squeeze %dma_wait3A_51 : memref<1x10000x16xf32, #tpu.memory_space<hbm>> -> memref<10000x16xf32, #tpu.memory_space<hbm>>
      %dma_wait3A_53 = arith.constant 0 : i32
      %dma_wait3A_54 = tpu.memref_slice %dma_wait3A_52[%mul3A_28, %dma_wait3A_53] : memref<10000x16xf32, #tpu.memory_space<hbm>> -> memref<625x16xf32, #tpu.memory_space<hbm>>
      tpu.wait_dma2 semaphore(%run_scoped3A : memref<!tpu.dma_semaphore, #tpu.memory_space<semaphore_mem>>) src(%arg8 : memref<625x16xf32, #tpu.memory_space<vmem>>) dst(%dma_wait3A_54 : memref<625x16xf32, #tpu.memory_space<hbm>>)
      tpu.yield
    }) : () -> ()
    %mul3A_29 = arith.constant 625 : i32
    %mul3A_30 = arith.muli %arg1, %mul3A_29 : i32
    "tpu.region"() ({
      %run_scoped3A = tpu.sem_alloc : memref<!tpu.dma_semaphore, #tpu.memory_space<semaphore_mem>>
      %dma_start3A = arith.constant 0 : i32
      %dma_start3A_33 = tpu.memref_slice %arg10[%mul3A_30, %dma_start3A] : memref<10000x16xf32, #tpu.memory_space<vmem_shared>> -> memref<625x16xf32, #tpu.memory_space<vmem_shared>>
      %dma_start3A_34 = arith.constant 0 : i32
      %dma_start3A_35 = tpu.memref_slice %arg10[%mul3A_30, %dma_start3A_34] : memref<10000x16xf32, #tpu.memory_space<vmem_shared>> -> memref<625x16xf32, #tpu.memory_space<vmem_shared>>
      tpu.enqueue_dma source(%dma_start3A_35 : memref<625x16xf32, #tpu.memory_space<vmem_shared>>) target(%arg8 : memref<625x16xf32, #tpu.memory_space<vmem>>) target_semaphore(%run_scoped3A : memref<!tpu.dma_semaphore, #tpu.memory_space<semaphore_mem>>)
      %dma_wait3A = arith.constant 0 : i32
      %dma_wait3A_36 = tpu.memref_slice %arg10[%mul3A_30, %dma_wait3A] : memref<10000x16xf32, #tpu.memory_space<vmem_shared>> -> memref<625x16xf32, #tpu.memory_space<vmem_shared>>
      %dma_wait3A_37 = arith.constant 0 : i32
      %dma_wait3A_38 = tpu.memref_slice %arg10[%mul3A_30, %dma_wait3A_37] : memref<10000x16xf32, #tpu.memory_space<vmem_shared>> -> memref<625x16xf32, #tpu.memory_space<vmem_shared>>
      tpu.wait_dma2 semaphore(%run_scoped3A : memref<!tpu.dma_semaphore, #tpu.memory_space<semaphore_mem>>) src(%dma_wait3A_38 : memref<625x16xf32, #tpu.memory_space<vmem_shared>>) dst(%arg8 : memref<625x16xf32, #tpu.memory_space<vmem>>)
      tpu.yield
    }) : () -> ()
    %mul3A_31 = arith.constant 625 : i32
    %mul3A_32 = arith.muli %arg1, %mul3A_31 : i32
    "tpu.region"() ({
      %run_scoped3A = tpu.sem_alloc : memref<!tpu.dma_semaphore, #tpu.memory_space<semaphore_mem>>
      %dma_start3A = arith.constant 0 : i32
      %dma_start3A_33 = arith.constant 0 : i32
      %dma_start3A_34 = tpu.memref_slice %arg5[%arg0, %dma_start3A, %dma_start3A_33] : memref<2x10000x16xf32, #tpu.memory_space<hbm>> -> memref<1x10000x16xf32, #tpu.memory_space<hbm>>
      %dma_start3A_35 = tpu.memref_squeeze %dma_start3A_34 : memref<1x10000x16xf32, #tpu.memory_space<hbm>> -> memref<10000x16xf32, #tpu.memory_space<hbm>>
      %dma_start3A_36 = arith.constant 0 : i32
      %dma_start3A_37 = tpu.memref_slice %dma_start3A_35[%mul3A_32, %dma_start3A_36] : memref<10000x16xf32, #tpu.memory_space<hbm>> -> memref<625x16xf32, #tpu.memory_space<hbm>>
      %dma_start3A_38 = arith.constant 0 : i32
      %dma_start3A_39 = arith.constant 0 : i32
      %dma_start3A_40 = tpu.memref_slice %arg5[%arg0, %dma_start3A_38, %dma_start3A_39] : memref<2x10000x16xf32, #tpu.memory_space<hbm>> -> memref<1x10000x16xf32, #tpu.memory_space<hbm>>
      %dma_start3A_41 = tpu.memref_squeeze %dma_start3A_40 : memref<1x10000x16xf32, #tpu.memory_space<hbm>> -> memref<10000x16xf32, #tpu.memory_space<hbm>>
      %dma_start3A_42 = arith.constant 0 : i32
      %dma_start3A_43 = tpu.memref_slice %dma_start3A_41[%mul3A_32, %dma_start3A_42] : memref<10000x16xf32, #tpu.memory_space<hbm>> -> memref<625x16xf32, #tpu.memory_space<hbm>>
      tpu.enqueue_dma source(%arg8 : memref<625x16xf32, #tpu.memory_space<vmem>>) target(%dma_start3A_43 : memref<625x16xf32, #tpu.memory_space<hbm>>) target_semaphore(%run_scoped3A : memref<!tpu.dma_semaphore, #tpu.memory_space<semaphore_mem>>)
      %dma_wait3A = arith.constant 0 : i32
      %dma_wait3A_44 = arith.constant 0 : i32
      %dma_wait3A_45 = tpu.memref_slice %arg5[%arg0, %dma_wait3A, %dma_wait3A_44] : memref<2x10000x16xf32, #tpu.memory_space<hbm>> -> memref<1x10000x16xf32, #tpu.memory_space<hbm>>
      %dma_wait3A_46 = tpu.memref_squeeze %dma_wait3A_45 : memref<1x10000x16xf32, #tpu.memory_space<hbm>> -> memref<10000x16xf32, #tpu.memory_space<hbm>>
      %dma_wait3A_47 = arith.constant 0 : i32
      %dma_wait3A_48 = tpu.memref_slice %dma_wait3A_46[%mul3A_32, %dma_wait3A_47] : memref<10000x16xf32, #tpu.memory_space<hbm>> -> memref<625x16xf32, #tpu.memory_space<hbm>>
      %dma_wait3A_49 = arith.constant 0 : i32
      %dma_wait3A_50 = arith.constant 0 : i32
      %dma_wait3A_51 = tpu.memref_slice %arg5[%arg0, %dma_wait3A_49, %dma_wait3A_50] : memref<2x10000x16xf32, #tpu.memory_space<hbm>> -> memref<1x10000x16xf32, #tpu.memory_space<hbm>>
      %dma_wait3A_52 = tpu.memref_squeeze %dma_wait3A_51 : memref<1x10000x16xf32, #tpu.memory_space<hbm>> -> memref<10000x16xf32, #tpu.memory_space<hbm>>
      %dma_wait3A_53 = arith.constant 0 : i32
      %dma_wait3A_54 = tpu.memref_slice %dma_wait3A_52[%mul3A_32, %dma_wait3A_53] : memref<10000x16xf32, #tpu.memory_space<hbm>> -> memref<625x16xf32, #tpu.memory_space<hbm>>
      tpu.wait_dma2 semaphore(%run_scoped3A : memref<!tpu.dma_semaphore, #tpu.memory_space<semaphore_mem>>) src(%arg8 : memref<625x16xf32, #tpu.memory_space<vmem>>) dst(%dma_wait3A_54 : memref<625x16xf32, #tpu.memory_space<hbm>>)
      tpu.yield
    }) : () -> ()
    return
  }
}

#map = affine_map<(d0, d1) -> (0, 0)>
module attributes {stable_mosaic.version = 14 : i64} {
  func.func @_sc_gather_body(%arg0: i32, %arg1: i32, %arg2: memref<10000x16xf32, #tpu.memory_space<hbm>>, %arg3: memref<4000x80xi32, #tpu.memory_space<hbm>>, %arg4: memref<320000x16xf32, #tpu.memory_space<hbm>>, %arg5: memref<125x80xi32, #tpu.memory_space<vmem>>, %arg6: memref<80x16xf32, #tpu.memory_space<vmem>>, %arg7: memref<!tpu.dma_semaphore, #tpu.memory_space<semaphore_mem>>) attributes {dimension_semantics = [#tpu.dimension_semantics<core_parallel>, #tpu.dimension_semantics<subcore_parallel>], iteration_bounds = array<i64: 2, 16>, scalar_prefetch = 0 : i64, scratch_operands = 3 : i64, tpu.core_type = #tpu.core_type<sc_vector_subcore>, window_params = [{transform_indices = #map}, {transform_indices = #map}, {transform_indices = #map}]} {
    %mul3A = arith.constant 2 : i32
    %mul3A_0 = arith.muli %arg1, %mul3A : i32
    %add3A = arith.addi %mul3A_0, %arg0 : i32
    %mul3A_1 = arith.constant 125 : i32
    %mul3A_2 = arith.muli %add3A, %mul3A_1 : i32
    "tpu.region"() ({
      %run_scoped3A = tpu.sem_alloc : memref<!tpu.dma_semaphore, #tpu.memory_space<semaphore_mem>>
      %dma_start3A = arith.constant 0 : i32
      %dma_start3A_8 = tpu.memref_slice %arg3[%mul3A_2, %dma_start3A] : memref<4000x80xi32, #tpu.memory_space<hbm>> -> memref<125x80xi32, #tpu.memory_space<hbm>>
      %dma_start3A_9 = arith.constant 0 : i32
      %dma_start3A_10 = tpu.memref_slice %arg3[%mul3A_2, %dma_start3A_9] : memref<4000x80xi32, #tpu.memory_space<hbm>> -> memref<125x80xi32, #tpu.memory_space<hbm>>
      tpu.enqueue_dma source(%dma_start3A_10 : memref<125x80xi32, #tpu.memory_space<hbm>>) target(%arg5 : memref<125x80xi32, #tpu.memory_space<vmem>>) target_semaphore(%run_scoped3A : memref<!tpu.dma_semaphore, #tpu.memory_space<semaphore_mem>>)
      %dma_wait3A = arith.constant 0 : i32
      %dma_wait3A_11 = tpu.memref_slice %arg3[%mul3A_2, %dma_wait3A] : memref<4000x80xi32, #tpu.memory_space<hbm>> -> memref<125x80xi32, #tpu.memory_space<hbm>>
      %dma_wait3A_12 = arith.constant 0 : i32
      %dma_wait3A_13 = tpu.memref_slice %arg3[%mul3A_2, %dma_wait3A_12] : memref<4000x80xi32, #tpu.memory_space<hbm>> -> memref<125x80xi32, #tpu.memory_space<hbm>>
      tpu.wait_dma2 semaphore(%run_scoped3A : memref<!tpu.dma_semaphore, #tpu.memory_space<semaphore_mem>>) src(%dma_wait3A_13 : memref<125x80xi32, #tpu.memory_space<hbm>>) dst(%arg5 : memref<125x80xi32, #tpu.memory_space<vmem>>)
      tpu.yield
    }) : () -> ()
    %scan3A = arith.constant 0 : i32
    %scan3A_3 = arith.constant 0 : i32
    %scan3A_4 = arith.constant 125 : i32
    %scan3A_5 = arith.addi %scan3A_3, %scan3A_4 : i32
    %scan3A_6 = arith.constant 1 : i32
    scf.for %scan3A_8 = %scan3A_3 to %scan3A_5 step %scan3A_6  : i32 {
      %dma_start3A = arith.constant 0 : i32
      %dma_start3A_9 = tpu.memref_slice %arg5[%scan3A_8, %dma_start3A] : memref<125x80xi32, #tpu.memory_space<vmem>> -> memref<1x80xi32, #tpu.memory_space<vmem>>
      %dma_start3A_10 = tpu.memref_squeeze %dma_start3A_9 : memref<1x80xi32, #tpu.memory_space<vmem>> -> memref<80xi32, #tpu.memory_space<vmem>>
      %dma_start3A_11 = arith.constant 0 : i32
      %dma_start3A_12 = arith.constant 0 : i32
      %dma_start3A_13 = tpu.memref_slice %arg2[%dma_start3A_11, %dma_start3A_12] : memref<10000x16xf32, #tpu.memory_space<hbm>> -> memref<10000x16xf32, #tpu.memory_space<hbm>>
      tpu.enqueue_indirect_dma source(%dma_start3A_13 : memref<10000x16xf32, #tpu.memory_space<hbm>>) target(%arg6 : memref<80x16xf32, #tpu.memory_space<vmem>>) offsets(%dma_start3A_10 : memref<80xi32, #tpu.memory_space<vmem>>) semaphore(%arg7 : memref<!tpu.dma_semaphore, #tpu.memory_space<semaphore_mem>>)
      %dma_wait3A = arith.constant 0 : i32
      %dma_wait3A_14 = tpu.memref_slice %arg5[%scan3A_8, %dma_wait3A] : memref<125x80xi32, #tpu.memory_space<vmem>> -> memref<1x80xi32, #tpu.memory_space<vmem>>
      %dma_wait3A_15 = tpu.memref_squeeze %dma_wait3A_14 : memref<1x80xi32, #tpu.memory_space<vmem>> -> memref<80xi32, #tpu.memory_space<vmem>>
      %dma_wait3A_16 = arith.constant 0 : i32
      %dma_wait3A_17 = arith.constant 0 : i32
      %dma_wait3A_18 = tpu.memref_slice %arg2[%dma_wait3A_16, %dma_wait3A_17] : memref<10000x16xf32, #tpu.memory_space<hbm>> -> memref<10000x16xf32, #tpu.memory_space<hbm>>
      tpu.wait_indirect_dma semaphore(%arg7 : memref<!tpu.dma_semaphore, #tpu.memory_space<semaphore_mem>>) src(%dma_wait3A_18 : memref<10000x16xf32, #tpu.memory_space<hbm>>) dst(%arg6 : memref<80x16xf32, #tpu.memory_space<vmem>>)
      %mul3A_19 = arith.constant 10000 : i32
      %mul3A_20 = arith.muli %add3A, %mul3A_19 : i32
      %mul3A_21 = arith.constant 80 : i32
      %mul3A_22 = arith.muli %scan3A_8, %mul3A_21 : i32
      %add3A_23 = arith.addi %mul3A_20, %mul3A_22 : i32
      "tpu.region"() ({
        %run_scoped3A = tpu.sem_alloc : memref<!tpu.dma_semaphore, #tpu.memory_space<semaphore_mem>>
        %dma_start3A_24 = arith.constant 0 : i32
        %dma_start3A_25 = tpu.memref_slice %arg4[%add3A_23, %dma_start3A_24] : memref<320000x16xf32, #tpu.memory_space<hbm>> -> memref<80x16xf32, #tpu.memory_space<hbm>>
        %dma_start3A_26 = arith.constant 0 : i32
        %dma_start3A_27 = tpu.memref_slice %arg4[%add3A_23, %dma_start3A_26] : memref<320000x16xf32, #tpu.memory_space<hbm>> -> memref<80x16xf32, #tpu.memory_space<hbm>>
        tpu.enqueue_dma source(%arg6 : memref<80x16xf32, #tpu.memory_space<vmem>>) target(%dma_start3A_27 : memref<80x16xf32, #tpu.memory_space<hbm>>) target_semaphore(%run_scoped3A : memref<!tpu.dma_semaphore, #tpu.memory_space<semaphore_mem>>)
        %dma_wait3A_28 = arith.constant 0 : i32
        %dma_wait3A_29 = tpu.memref_slice %arg4[%add3A_23, %dma_wait3A_28] : memref<320000x16xf32, #tpu.memory_space<hbm>> -> memref<80x16xf32, #tpu.memory_space<hbm>>
        %dma_wait3A_30 = arith.constant 0 : i32
        %dma_wait3A_31 = tpu.memref_slice %arg4[%add3A_23, %dma_wait3A_30] : memref<320000x16xf32, #tpu.memory_space<hbm>> -> memref<80x16xf32, #tpu.memory_space<hbm>>
        tpu.wait_dma2 semaphore(%run_scoped3A : memref<!tpu.dma_semaphore, #tpu.memory_space<semaphore_mem>>) src(%arg6 : memref<80x16xf32, #tpu.memory_space<vmem>>) dst(%dma_wait3A_31 : memref<80x16xf32, #tpu.memory_space<hbm>>)
        tpu.yield
      }) : () -> ()
    }
    %scan3A_7 = arith.constant 125 : i32
    return
  }
}

module attributes {stable_mosaic.version = 14 : i64} {
  func.func @_proj_body(%arg0: i32, %arg1: memref<2000x128xf32, #tpu.memory_space<vmem>>, %arg2: memref<128x16xf32, #tpu.memory_space<vmem>>, %arg3: memref<1x16xf32, #tpu.memory_space<vmem>>, %arg4: memref<2000x16xf32, #tpu.memory_space<vmem>>) attributes {dimension_semantics = [#tpu.dimension_semantics<arbitrary>], iteration_bounds = array<i64: 5>, scalar_prefetch = 0 : i64, scratch_operands = 0 : i64, tpu.core_type = #tpu.core_type<tc>, window_params = [{transform_indices = @transform_0, window_bounds = array<i64: 2000, 128>}, {pipeline_mode = #tpu.pipeline_mode<synchronous>, transform_indices = @transform_1, window_bounds = array<i64: 128, 16>}, {pipeline_mode = #tpu.pipeline_mode<synchronous>, transform_indices = @transform_2, window_bounds = array<i64: 1, 16>}, {transform_indices = @transform_3, window_bounds = array<i64: 2000, 16>}]} {
    %get3A = arith.constant 0 : index
    %get3A_0 = arith.constant 0 : index
    %get3A_1 = vector.load %arg1[%get3A, %get3A_0] : memref<2000x128xf32, #tpu.memory_space<vmem>>, vector<2000x128xf32>
    %get3A_2 = arith.constant 0 : index
    %get3A_3 = arith.constant 0 : index
    %get3A_4 = vector.load %arg2[%get3A_2, %get3A_3] : memref<128x16xf32, #tpu.memory_space<vmem>>, vector<128x16xf32>
    %dot_general3A = arith.constant dense<0.000000e+00> : vector<2000x16xf32>
    %dot_general3A_5 = tpu.matmul %get3A_1, %get3A_4, %dot_general3A {dimension_numbers = #tpu.dot_dimension_numbers<[1], [0], [0], [1], [0, 0, 1, 1], [], []>, transpose_lhs_hint = false} : vector<2000x128xf32>, vector<128x16xf32>, vector<2000x16xf32> -> vector<2000x16xf32>
    %get3A_6 = arith.constant 0 : index
    %get3A_7 = arith.constant 0 : index
    %get3A_8 = vector.load %arg3[%get3A_6, %get3A_7] : memref<1x16xf32, #tpu.memory_space<vmem>>, vector<1x16xf32>
    %add3A = vector.broadcast %get3A_8 : vector<1x16xf32> to vector<2000x16xf32>
    %add3A_9 = arith.addf %dot_general3A_5, %add3A : vector<2000x16xf32>
    %max3A = arith.constant 0.000000e+00 : f32
    %max3A_10 = vector.broadcast %max3A : f32 to vector<2000x16xf32>
    %max3A_11 = arith.maximumf %add3A_9, %max3A_10 : vector<2000x16xf32>
    %swap3A = arith.constant 0 : index
    %swap3A_12 = arith.constant 0 : index
    %swap3A_13 = vector.load %arg4[%swap3A, %swap3A_12] : memref<2000x16xf32, #tpu.memory_space<vmem>>, vector<2000x16xf32>
    tpu.vector_store %arg4[%swap3A, %swap3A_12], %max3A_11 {strides = array<i32>} : memref<2000x16xf32, #tpu.memory_space<vmem>>, vector<2000x16xf32>,
    return
  }
  func.func @transform_0(%arg0: i32) -> (i32, i32) {
    %c0_i32 = arith.constant 0 : i32
    %c0_i32_0 = arith.constant 0 : i32
    return %arg0, %c0_i32 : i32, i32
  }
  func.func @transform_1(%arg0: i32) -> (i32, i32) {
    %c0_i32 = arith.constant 0 : i32
    %c0_i32_0 = arith.constant 0 : i32
    %c0_i32_1 = arith.constant 0 : i32
    return %c0_i32, %c0_i32_0 : i32, i32
  }
  func.func @transform_2(%arg0: i32) -> (i32, i32) {
    %c0_i32 = arith.constant 0 : i32
    %c0_i32_0 = arith.constant 0 : i32
    %c0_i32_1 = arith.constant 0 : i32
    return %c0_i32, %c0_i32_0 : i32, i32
  }
  func.func @transform_3(%arg0: i32) -> (i32, i32) {
    %c0_i32 = arith.constant 0 : i32
    %c0_i32_0 = arith.constant 0 : i32
    return %arg0, %c0_i32 : i32, i32
  }
}

module attributes {stable_mosaic.version = 14 : i64} {
  func.func @_msg_body(%arg0: i32, %arg1: memref<2000x16xf32, #tpu.memory_space<vmem>>, %arg2: memref<2000x16xf32, #tpu.memory_space<vmem>>, %arg3: memref<16x64xf32, #tpu.memory_space<vmem>>, %arg4: memref<64x1xf32, #tpu.memory_space<vmem>>, %arg5: memref<64x256xf32, #tpu.memory_space<vmem>>, %arg6: memref<256x1xf32, #tpu.memory_space<vmem>>, %arg7: memref<2000x16xf32, #tpu.memory_space<vmem>>) attributes {dimension_semantics = [#tpu.dimension_semantics<arbitrary>], iteration_bounds = array<i64: 160>, scalar_prefetch = 0 : i64, scratch_operands = 0 : i64, tpu.core_type = #tpu.core_type<tc>, window_params = [{transform_indices = @transform_0, window_bounds = array<i64: 2000, 16>}, {transform_indices = @transform_1, window_bounds = array<i64: 2000, 16>}, {pipeline_mode = #tpu.pipeline_mode<synchronous>, transform_indices = @transform_2, window_bounds = array<i64: 16, 64>}, {pipeline_mode = #tpu.pipeline_mode<synchronous>, transform_indices = @transform_3, window_bounds = array<i64: 64, 1>}, {pipeline_mode = #tpu.pipeline_mode<synchronous>, transform_indices = @transform_4, window_bounds = array<i64: 64, 256>}, {pipeline_mode = #tpu.pipeline_mode<synchronous>, transform_indices = @transform_5, window_bounds = array<i64: 256, 1>}, {transform_indices = @transform_6, window_bounds = array<i64: 2000, 16>}]} {
    %iota3A = tpu.iota {dimensions = array<i32: 0>} : vector<16x16xi32>
    %iota3A_0 = tpu.iota {dimensions = array<i32: 1>} : vector<16x16xi32>
    %eq3A = arith.cmpi eq, %iota3A, %iota3A_0 : vector<16x16xi32>
    %convert_element_type3A = arith.extui %eq3A : vector<16x16xi1> to vector<16x16xi32>
    %convert_element_type3A_1 = arith.sitofp %convert_element_type3A : vector<16x16xi32> to vector<16x16xf32>
    %get3A = arith.constant 0 : index
    %get3A_2 = arith.constant 0 : index
    %get3A_3 = vector.load %arg3[%get3A, %get3A_2] : memref<16x64xf32, #tpu.memory_space<vmem>>, vector<16x64xf32>
    %get3A_4 = arith.constant 0 : index
    %get3A_5 = arith.constant 0 : index
    %get3A_6 = vector.load %arg1[%get3A_4, %get3A_5] : memref<2000x16xf32, #tpu.memory_space<vmem>>, vector<2000x16xf32>
    %dot_general3A = arith.constant dense<0.000000e+00> : vector<64x2000xf32>
    %dot_general3A_7 = tpu.matmul %get3A_3, %get3A_6, %dot_general3A {dimension_numbers = #tpu.dot_dimension_numbers<[0], [1], [1], [0], [0, 1, 1, 0], [], []>, transpose_lhs_hint = false} : vector<16x64xf32>, vector<2000x16xf32>, vector<64x2000xf32> -> vector<64x2000xf32>
    %get3A_8 = arith.constant 0 : index
    %get3A_9 = arith.constant 0 : index
    %get3A_10 = vector.load %arg4[%get3A_8, %get3A_9] : memref<64x1xf32, #tpu.memory_space<vmem>>, vector<64x1xf32>
    %add3A = vector.broadcast %get3A_10 : vector<64x1xf32> to vector<64x2000xf32>
    %add3A_11 = arith.addf %dot_general3A_7, %add3A : vector<64x2000xf32>
    %max3A = arith.constant 0.000000e+00 : f32
    %max3A_12 = vector.broadcast %max3A : f32 to vector<64x2000xf32>
    %max3A_13 = arith.maximumf %add3A_11, %max3A_12 : vector<64x2000xf32>
    %get3A_14 = arith.constant 0 : index
    %get3A_15 = arith.constant 0 : index
    %get3A_16 = vector.load %arg5[%get3A_14, %get3A_15] : memref<64x256xf32, #tpu.memory_space<vmem>>, vector<64x256xf32>
    %dot_general3A_17 = arith.constant dense<0.000000e+00> : vector<256x2000xf32>
    %dot_general3A_18 = tpu.matmul %get3A_16, %max3A_13, %dot_general3A_17 {dimension_numbers = #tpu.dot_dimension_numbers<[0], [0], [1], [1], [0, 1, 1, 1], [], []>, transpose_lhs_hint = false} : vector<64x256xf32>, vector<64x2000xf32>, vector<256x2000xf32> -> vector<256x2000xf32>
    %get3A_19 = arith.constant 0 : index
    %get3A_20 = arith.constant 0 : index
    %get3A_21 = vector.load %arg6[%get3A_19, %get3A_20] : memref<256x1xf32, #tpu.memory_space<vmem>>, vector<256x1xf32>
    %add3A_22 = vector.broadcast %get3A_21 : vector<256x1xf32> to vector<256x2000xf32>
    %add3A_23 = arith.addf %dot_general3A_18, %add3A_22 : vector<256x2000xf32>
    %get3A_24 = arith.constant 0 : index
    %get3A_25 = arith.constant 0 : index
    %get3A_26 = vector.load %arg2[%get3A_24, %get3A_25] : memref<2000x16xf32, #tpu.memory_space<vmem>>, vector<2000x16xf32>
    %dot_general3A_27 = arith.constant dense<0.000000e+00> : vector<16x2000xf32>
    %dot_general3A_28 = tpu.matmul %convert_element_type3A_1, %get3A_26, %dot_general3A_27 {dimension_numbers = #tpu.dot_dimension_numbers<[0], [1], [1], [0], [0, 1, 1, 0], [], []>, transpose_lhs_hint = false} : vector<16x16xf32>, vector<2000x16xf32>, vector<16x2000xf32> -> vector<16x2000xf32>
    %slice3A = vector.extract_strided_slice %dot_general3A_28 {offsets = [0, 0], sizes = [1, 2000], strides = [1, 1]} : vector<16x2000xf32> to vector<1x2000xf32>
    %slice3A_29 = vector.extract_strided_slice %add3A_23 {offsets = [0, 0], sizes = [16, 2000], strides = [1, 1]} : vector<256x2000xf32> to vector<16x2000xf32>
    %mul3A = vector.broadcast %slice3A : vector<1x2000xf32> to vector<16x2000xf32>
    %mul3A_30 = arith.mulf %mul3A, %slice3A_29 : vector<16x2000xf32>
    %slice3A_31 = vector.extract_strided_slice %dot_general3A_28 {offsets = [1, 0], sizes = [1, 2000], strides = [1, 1]} : vector<16x2000xf32> to vector<1x2000xf32>
    %slice3A_32 = vector.extract_strided_slice %add3A_23 {offsets = [16, 0], sizes = [16, 2000], strides = [1, 1]} : vector<256x2000xf32> to vector<16x2000xf32>
    %mul3A_33 = vector.broadcast %slice3A_31 : vector<1x2000xf32> to vector<16x2000xf32>
    %mul3A_34 = arith.mulf %mul3A_33, %slice3A_32 : vector<16x2000xf32>
    %add3A_35 = arith.addf %mul3A_30, %mul3A_34 : vector<16x2000xf32>
    %slice3A_36 = vector.extract_strided_slice %dot_general3A_28 {offsets = [2, 0], sizes = [1, 2000], strides = [1, 1]} : vector<16x2000xf32> to vector<1x2000xf32>
    %slice3A_37 = vector.extract_strided_slice %add3A_23 {offsets = [32, 0], sizes = [16, 2000], strides = [1, 1]} : vector<256x2000xf32> to vector<16x2000xf32>
    %mul3A_38 = vector.broadcast %slice3A_36 : vector<1x2000xf32> to vector<16x2000xf32>
    %mul3A_39 = arith.mulf %mul3A_38, %slice3A_37 : vector<16x2000xf32>
    %add3A_40 = arith.addf %add3A_35, %mul3A_39 : vector<16x2000xf32>
    %slice3A_41 = vector.extract_strided_slice %dot_general3A_28 {offsets = [3, 0], sizes = [1, 2000], strides = [1, 1]} : vector<16x2000xf32> to vector<1x2000xf32>
    %slice3A_42 = vector.extract_strided_slice %add3A_23 {offsets = [48, 0], sizes = [16, 2000], strides = [1, 1]} : vector<256x2000xf32> to vector<16x2000xf32>
    %mul3A_43 = vector.broadcast %slice3A_41 : vector<1x2000xf32> to vector<16x2000xf32>
    %mul3A_44 = arith.mulf %mul3A_43, %slice3A_42 : vector<16x2000xf32>
    %add3A_45 = arith.addf %add3A_40, %mul3A_44 : vector<16x2000xf32>
    %slice3A_46 = vector.extract_strided_slice %dot_general3A_28 {offsets = [4, 0], sizes = [1, 2000], strides = [1, 1]} : vector<16x2000xf32> to vector<1x2000xf32>
    %slice3A_47 = vector.extract_strided_slice %add3A_23 {offsets = [64, 0], sizes = [16, 2000], strides = [1, 1]} : vector<256x2000xf32> to vector<16x2000xf32>
    %mul3A_48 = vector.broadcast %slice3A_46 : vector<1x2000xf32> to vector<16x2000xf32>
    %mul3A_49 = arith.mulf %mul3A_48, %slice3A_47 : vector<16x2000xf32>
    %add3A_50 = arith.addf %add3A_45, %mul3A_49 : vector<16x2000xf32>
    %slice3A_51 = vector.extract_strided_slice %dot_general3A_28 {offsets = [5, 0], sizes = [1, 2000], strides = [1, 1]} : vector<16x2000xf32> to vector<1x2000xf32>
    %slice3A_52 = vector.extract_strided_slice %add3A_23 {offsets = [80, 0], sizes = [16, 2000], strides = [1, 1]} : vector<256x2000xf32> to vector<16x2000xf32>
    %mul3A_53 = vector.broadcast %slice3A_51 : vector<1x2000xf32> to vector<16x2000xf32>
    %mul3A_54 = arith.mulf %mul3A_53, %slice3A_52 : vector<16x2000xf32>
    %add3A_55 = arith.addf %add3A_50, %mul3A_54 : vector<16x2000xf32>
    %slice3A_56 = vector.extract_strided_slice %dot_general3A_28 {offsets = [6, 0], sizes = [1, 2000], strides = [1, 1]} : vector<16x2000xf32> to vector<1x2000xf32>
    %slice3A_57 = vector.extract_strided_slice %add3A_23 {offsets = [96, 0], sizes = [16, 2000], strides = [1, 1]} : vector<256x2000xf32> to vector<16x2000xf32>
    %mul3A_58 = vector.broadcast %slice3A_56 : vector<1x2000xf32> to vector<16x2000xf32>
    %mul3A_59 = arith.mulf %mul3A_58, %slice3A_57 : vector<16x2000xf32>
    %add3A_60 = arith.addf %add3A_55, %mul3A_59 : vector<16x2000xf32>
    %slice3A_61 = vector.extract_strided_slice %dot_general3A_28 {offsets = [7, 0], sizes = [1, 2000], strides = [1, 1]} : vector<16x2000xf32> to vector<1x2000xf32>
    %slice3A_62 = vector.extract_strided_slice %add3A_23 {offsets = [112, 0], sizes = [16, 2000], strides = [1, 1]} : vector<256x2000xf32> to vector<16x2000xf32>
    %mul3A_63 = vector.broadcast %slice3A_61 : vector<1x2000xf32> to vector<16x2000xf32>
    %mul3A_64 = arith.mulf %mul3A_63, %slice3A_62 : vector<16x2000xf32>
    %add3A_65 = arith.addf %add3A_60, %mul3A_64 : vector<16x2000xf32>
    %slice3A_66 = vector.extract_strided_slice %dot_general3A_28 {offsets = [8, 0], sizes = [1, 2000], strides = [1, 1]} : vector<16x2000xf32> to vector<1x2000xf32>
    %slice3A_67 = vector.extract_strided_slice %add3A_23 {offsets = [128, 0], sizes = [16, 2000], strides = [1, 1]} : vector<256x2000xf32> to vector<16x2000xf32>
    %mul3A_68 = vector.broadcast %slice3A_66 : vector<1x2000xf32> to vector<16x2000xf32>
    %mul3A_69 = arith.mulf %mul3A_68, %slice3A_67 : vector<16x2000xf32>
    %add3A_70 = arith.addf %add3A_65, %mul3A_69 : vector<16x2000xf32>
    %slice3A_71 = vector.extract_strided_slice %dot_general3A_28 {offsets = [9, 0], sizes = [1, 2000], strides = [1, 1]} : vector<16x2000xf32> to vector<1x2000xf32>
    %slice3A_72 = vector.extract_strided_slice %add3A_23 {offsets = [144, 0], sizes = [16, 2000], strides = [1, 1]} : vector<256x2000xf32> to vector<16x2000xf32>
    %mul3A_73 = vector.broadcast %slice3A_71 : vector<1x2000xf32> to vector<16x2000xf32>
    %mul3A_74 = arith.mulf %mul3A_73, %slice3A_72 : vector<16x2000xf32>
    %add3A_75 = arith.addf %add3A_70, %mul3A_74 : vector<16x2000xf32>
    %slice3A_76 = vector.extract_strided_slice %dot_general3A_28 {offsets = [10, 0], sizes = [1, 2000], strides = [1, 1]} : vector<16x2000xf32> to vector<1x2000xf32>
    %slice3A_77 = vector.extract_strided_slice %add3A_23 {offsets = [160, 0], sizes = [16, 2000], strides = [1, 1]} : vector<256x2000xf32> to vector<16x2000xf32>
    %mul3A_78 = vector.broadcast %slice3A_76 : vector<1x2000xf32> to vector<16x2000xf32>
    %mul3A_79 = arith.mulf %mul3A_78, %slice3A_77 : vector<16x2000xf32>
    %add3A_80 = arith.addf %add3A_75, %mul3A_79 : vector<16x2000xf32>
    %slice3A_81 = vector.extract_strided_slice %dot_general3A_28 {offsets = [11, 0], sizes = [1, 2000], strides = [1, 1]} : vector<16x2000xf32> to vector<1x2000xf32>
    %slice3A_82 = vector.extract_strided_slice %add3A_23 {offsets = [176, 0], sizes = [16, 2000], strides = [1, 1]} : vector<256x2000xf32> to vector<16x2000xf32>
    %mul3A_83 = vector.broadcast %slice3A_81 : vector<1x2000xf32> to vector<16x2000xf32>
    %mul3A_84 = arith.mulf %mul3A_83, %slice3A_82 : vector<16x2000xf32>
    %add3A_85 = arith.addf %add3A_80, %mul3A_84 : vector<16x2000xf32>
    %slice3A_86 = vector.extract_strided_slice %dot_general3A_28 {offsets = [12, 0], sizes = [1, 2000], strides = [1, 1]} : vector<16x2000xf32> to vector<1x2000xf32>
    %slice3A_87 = vector.extract_strided_slice %add3A_23 {offsets = [192, 0], sizes = [16, 2000], strides = [1, 1]} : vector<256x2000xf32> to vector<16x2000xf32>
    %mul3A_88 = vector.broadcast %slice3A_86 : vector<1x2000xf32> to vector<16x2000xf32>
    %mul3A_89 = arith.mulf %mul3A_88, %slice3A_87 : vector<16x2000xf32>
    %add3A_90 = arith.addf %add3A_85, %mul3A_89 : vector<16x2000xf32>
    %slice3A_91 = vector.extract_strided_slice %dot_general3A_28 {offsets = [13, 0], sizes = [1, 2000], strides = [1, 1]} : vector<16x2000xf32> to vector<1x2000xf32>
    %slice3A_92 = vector.extract_strided_slice %add3A_23 {offsets = [208, 0], sizes = [16, 2000], strides = [1, 1]} : vector<256x2000xf32> to vector<16x2000xf32>
    %mul3A_93 = vector.broadcast %slice3A_91 : vector<1x2000xf32> to vector<16x2000xf32>
    %mul3A_94 = arith.mulf %mul3A_93, %slice3A_92 : vector<16x2000xf32>
    %add3A_95 = arith.addf %add3A_90, %mul3A_94 : vector<16x2000xf32>
    %slice3A_96 = vector.extract_strided_slice %dot_general3A_28 {offsets = [14, 0], sizes = [1, 2000], strides = [1, 1]} : vector<16x2000xf32> to vector<1x2000xf32>
    %slice3A_97 = vector.extract_strided_slice %add3A_23 {offsets = [224, 0], sizes = [16, 2000], strides = [1, 1]} : vector<256x2000xf32> to vector<16x2000xf32>
    %mul3A_98 = vector.broadcast %slice3A_96 : vector<1x2000xf32> to vector<16x2000xf32>
    %mul3A_99 = arith.mulf %mul3A_98, %slice3A_97 : vector<16x2000xf32>
    %add3A_100 = arith.addf %add3A_95, %mul3A_99 : vector<16x2000xf32>
    %slice3A_101 = vector.extract_strided_slice %dot_general3A_28 {offsets = [15, 0], sizes = [1, 2000], strides = [1, 1]} : vector<16x2000xf32> to vector<1x2000xf32>
    %slice3A_102 = vector.extract_strided_slice %add3A_23 {offsets = [240, 0], sizes = [16, 2000], strides = [1, 1]} : vector<256x2000xf32> to vector<16x2000xf32>
    %mul3A_103 = vector.broadcast %slice3A_101 : vector<1x2000xf32> to vector<16x2000xf32>
    %mul3A_104 = arith.mulf %mul3A_103, %slice3A_102 : vector<16x2000xf32>
    %add3A_105 = arith.addf %add3A_100, %mul3A_104 : vector<16x2000xf32>
    %dot_general3A_106 = arith.constant dense<0.000000e+00> : vector<2000x16xf32>
    %dot_general3A_107 = tpu.matmul %add3A_105, %convert_element_type3A_1, %dot_general3A_106 {dimension_numbers = #tpu.dot_dimension_numbers<[0], [0], [1], [1], [0, 1, 1, 1], [], []>, transpose_lhs_hint = false} : vector<16x2000xf32>, vector<16x16xf32>, vector<2000x16xf32> -> vector<2000x16xf32>
    %swap3A = arith.constant 0 : index
    %swap3A_108 = arith.constant 0 : index
    %swap3A_109 = vector.load %arg7[%swap3A, %swap3A_108] : memref<2000x16xf32, #tpu.memory_space<vmem>>, vector<2000x16xf32>
    tpu.vector_store %arg7[%swap3A, %swap3A_108], %dot_general3A_107 {strides = array<i32>} : memref<2000x16xf32, #tpu.memory_space<vmem>>, vector<2000x16xf32>,
    return
  }
  func.func @transform_0(%arg0: i32) -> (i32, i32) {
    %c0_i32 = arith.constant 0 : i32
    %c0_i32_0 = arith.constant 0 : i32
    return %arg0, %c0_i32 : i32, i32
  }
  func.func @transform_1(%arg0: i32) -> (i32, i32) {
    %c0_i32 = arith.constant 0 : i32
    %c0_i32_0 = arith.constant 0 : i32
    return %arg0, %c0_i32 : i32, i32
  }
  func.func @transform_2(%arg0: i32) -> (i32, i32) {
    %c0_i32 = arith.constant 0 : i32
    %c0_i32_0 = arith.constant 0 : i32
    %c0_i32_1 = arith.constant 0 : i32
    return %c0_i32, %c0_i32_0 : i32, i32
  }
  func.func @transform_3(%arg0: i32) -> (i32, i32) {
    %c0_i32 = arith.constant 0 : i32
    %c0_i32_0 = arith.constant 0 : i32
    %c0_i32_1 = arith.constant 0 : i32
    return %c0_i32, %c0_i32_0 : i32, i32
  }
  func.func @transform_4(%arg0: i32) -> (i32, i32) {
    %c0_i32 = arith.constant 0 : i32
    %c0_i32_0 = arith.constant 0 : i32
    %c0_i32_1 = arith.constant 0 : i32
    return %c0_i32, %c0_i32_0 : i32, i32
  }
  func.func @transform_5(%arg0: i32) -> (i32, i32) {
    %c0_i32 = arith.constant 0 : i32
    %c0_i32_0 = arith.constant 0 : i32
    %c0_i32_1 = arith.constant 0 : i32
    return %c0_i32, %c0_i32_0 : i32, i32
  }
  func.func @transform_6(%arg0: i32) -> (i32, i32) {
    %c0_i32 = arith.constant 0 : i32
    %c0_i32_0 = arith.constant 0 : i32
    return %arg0, %c0_i32 : i32, i32
  }
}

module attributes {stable_mosaic.version = 14 : i64} {
  func.func @_update_body(%arg0: memref<10000x16xf32, #tpu.memory_space<vmem>>, %arg1: memref<10000x16xf32, #tpu.memory_space<vmem>>, %arg2: memref<10000x16xf32, #tpu.memory_space<vmem>>, %arg3: memref<10000x16xf32, #tpu.memory_space<vmem>>, %arg4: memref<10000x16xf32, #tpu.memory_space<vmem>>, %arg5: memref<16x16xf32, #tpu.memory_space<vmem>>, %arg6: memref<1x16xf32, #tpu.memory_space<vmem>>, %arg7: memref<16x48xf32, #tpu.memory_space<vmem>>, %arg8: memref<1x48xf32, #tpu.memory_space<vmem>>, %arg9: memref<16x48xf32, #tpu.memory_space<vmem>>, %arg10: memref<1x48xf32, #tpu.memory_space<vmem>>, %arg11: memref<10000x16xf32, #tpu.memory_space<vmem>>) attributes {dimension_semantics = [], scalar_prefetch = 0 : i64, scratch_operands = 0 : i64, tpu.core_type = #tpu.core_type<tc>} {
    %get3A = arith.constant 0 : index
    %get3A_0 = arith.constant 0 : index
    %get3A_1 = vector.load %arg0[%get3A, %get3A_0] : memref<10000x16xf32, #tpu.memory_space<vmem>>, vector<10000x16xf32>
    %get3A_2 = arith.constant 0 : index
    %get3A_3 = arith.constant 0 : index
    %get3A_4 = vector.load %arg1[%get3A_2, %get3A_3] : memref<10000x16xf32, #tpu.memory_space<vmem>>, vector<10000x16xf32>
    %get3A_5 = arith.constant 0 : index
    %get3A_6 = arith.constant 0 : index
    %get3A_7 = vector.load %arg2[%get3A_5, %get3A_6] : memref<10000x16xf32, #tpu.memory_space<vmem>>, vector<10000x16xf32>
    %get3A_8 = arith.constant 0 : index
    %get3A_9 = arith.constant 0 : index
    %get3A_10 = vector.load %arg3[%get3A_8, %get3A_9] : memref<10000x16xf32, #tpu.memory_space<vmem>>, vector<10000x16xf32>
    %get3A_11 = arith.constant 0 : index
    %get3A_12 = arith.constant 0 : index
    %get3A_13 = vector.load %arg4[%get3A_11, %get3A_12] : memref<10000x16xf32, #tpu.memory_space<vmem>>, vector<10000x16xf32>
    %get3A_14 = arith.constant 0 : index
    %get3A_15 = arith.constant 0 : index
    %get3A_16 = vector.load %arg5[%get3A_14, %get3A_15] : memref<16x16xf32, #tpu.memory_space<vmem>>, vector<16x16xf32>
    %get3A_17 = arith.constant 0 : index
    %get3A_18 = arith.constant 0 : index
    %get3A_19 = vector.load %arg6[%get3A_17, %get3A_18] : memref<1x16xf32, #tpu.memory_space<vmem>>, vector<1x16xf32>
    %get3A_20 = arith.constant 0 : index
    %get3A_21 = arith.constant 0 : index
    %get3A_22 = vector.load %arg7[%get3A_20, %get3A_21] : memref<16x48xf32, #tpu.memory_space<vmem>>, vector<16x48xf32>
    %get3A_23 = arith.constant 0 : index
    %get3A_24 = arith.constant 0 : index
    %get3A_25 = vector.load %arg8[%get3A_23, %get3A_24] : memref<1x48xf32, #tpu.memory_space<vmem>>, vector<1x48xf32>
    %get3A_26 = arith.constant 0 : index
    %get3A_27 = arith.constant 0 : index
    %get3A_28 = vector.load %arg9[%get3A_26, %get3A_27] : memref<16x48xf32, #tpu.memory_space<vmem>>, vector<16x48xf32>
    %get3A_29 = arith.constant 0 : index
    %get3A_30 = arith.constant 0 : index
    %get3A_31 = vector.load %arg10[%get3A_29, %get3A_30] : memref<1x48xf32, #tpu.memory_space<vmem>>, vector<1x48xf32>
    %add3A = arith.addf %get3A_1, %get3A_4 : vector<10000x16xf32>
    %add3A_32 = arith.addf %get3A_7, %get3A_10 : vector<10000x16xf32>
    %max3A = arith.constant 1.000000e+00 : f32
    %max3A_33 = vector.broadcast %max3A : f32 to vector<10000x16xf32>
    %max3A_34 = arith.maximumf %add3A_32, %max3A_33 : vector<10000x16xf32>
    %div3A = arith.divf %add3A, %max3A_34 : vector<10000x16xf32>
    %dot_general3A = arith.constant dense<0.000000e+00> : vector<10000x16xf32>
    %dot_general3A_35 = tpu.matmul %get3A_13, %get3A_16, %dot_general3A {dimension_numbers = #tpu.dot_dimension_numbers<[1], [0], [0], [1], [0, 0, 1, 1], [], []>, transpose_lhs_hint = false} : vector<10000x16xf32>, vector<16x16xf32>, vector<10000x16xf32> -> vector<10000x16xf32>
    %add3A_36 = arith.addf %div3A, %dot_general3A_35 : vector<10000x16xf32>
    %add3A_37 = vector.broadcast %get3A_19 : vector<1x16xf32> to vector<10000x16xf32>
    %add3A_38 = arith.addf %add3A_36, %add3A_37 : vector<10000x16xf32>
    %max3A_39 = arith.constant 0.000000e+00 : f32
    %max3A_40 = vector.broadcast %max3A_39 : f32 to vector<10000x16xf32>
    %max3A_41 = arith.maximumf %add3A_38, %max3A_40 : vector<10000x16xf32>
    %dot_general3A_42 = arith.constant dense<0.000000e+00> : vector<10000x48xf32>
    %dot_general3A_43 = tpu.matmul %max3A_41, %get3A_22, %dot_general3A_42 {dimension_numbers = #tpu.dot_dimension_numbers<[1], [0], [0], [1], [0, 0, 1, 1], [], []>, transpose_lhs_hint = false} : vector<10000x16xf32>, vector<16x48xf32>, vector<10000x48xf32> -> vector<10000x48xf32>
    %add3A_44 = vector.broadcast %get3A_25 : vector<1x48xf32> to vector<10000x48xf32>
    %add3A_45 = arith.addf %dot_general3A_43, %add3A_44 : vector<10000x48xf32>
    %dot_general3A_46 = arith.constant dense<0.000000e+00> : vector<10000x48xf32>
    %dot_general3A_47 = tpu.matmul %get3A_13, %get3A_28, %dot_general3A_46 {dimension_numbers = #tpu.dot_dimension_numbers<[1], [0], [0], [1], [0, 0, 1, 1], [], []>, transpose_lhs_hint = false} : vector<10000x16xf32>, vector<16x48xf32>, vector<10000x48xf32> -> vector<10000x48xf32>
    %add3A_48 = vector.broadcast %get3A_31 : vector<1x48xf32> to vector<10000x48xf32>
    %add3A_49 = arith.addf %dot_general3A_47, %add3A_48 : vector<10000x48xf32>
    %slice3A = vector.extract_strided_slice %add3A_45 {offsets = [0, 0], sizes = [10000, 16], strides = [1, 1]} : vector<10000x48xf32> to vector<10000x16xf32>
    %slice3A_50 = vector.extract_strided_slice %add3A_49 {offsets = [0, 0], sizes = [10000, 16], strides = [1, 1]} : vector<10000x48xf32> to vector<10000x16xf32>
    %add3A_51 = arith.addf %slice3A, %slice3A_50 : vector<10000x16xf32>
    %logistic3A = arith.negf %add3A_51 : vector<10000x16xf32>
    %logistic3A_52 = math.exp %logistic3A : vector<10000x16xf32>
    %logistic3A_53 = arith.constant 1.000000e+00 : f32
    %logistic3A_54 = vector.broadcast %logistic3A_53 : f32 to vector<10000x16xf32>
    %logistic3A_55 = arith.addf %logistic3A_54, %logistic3A_52 : vector<10000x16xf32>
    %logistic3A_56 = arith.divf %logistic3A_54, %logistic3A_55 : vector<10000x16xf32>
    %slice3A_57 = vector.extract_strided_slice %add3A_45 {offsets = [0, 16], sizes = [10000, 16], strides = [1, 1]} : vector<10000x48xf32> to vector<10000x16xf32>
    %slice3A_58 = vector.extract_strided_slice %add3A_49 {offsets = [0, 16], sizes = [10000, 16], strides = [1, 1]} : vector<10000x48xf32> to vector<10000x16xf32>
    %add3A_59 = arith.addf %slice3A_57, %slice3A_58 : vector<10000x16xf32>
    %logistic3A_60 = arith.negf %add3A_59 : vector<10000x16xf32>
    %logistic3A_61 = math.exp %logistic3A_60 : vector<10000x16xf32>
    %logistic3A_62 = arith.constant 1.000000e+00 : f32
    %logistic3A_63 = vector.broadcast %logistic3A_62 : f32 to vector<10000x16xf32>
    %logistic3A_64 = arith.addf %logistic3A_63, %logistic3A_61 : vector<10000x16xf32>
    %logistic3A_65 = arith.divf %logistic3A_63, %logistic3A_64 : vector<10000x16xf32>
    %slice3A_66 = vector.extract_strided_slice %add3A_45 {offsets = [0, 32], sizes = [10000, 16], strides = [1, 1]} : vector<10000x48xf32> to vector<10000x16xf32>
    %slice3A_67 = vector.extract_strided_slice %add3A_49 {offsets = [0, 32], sizes = [10000, 16], strides = [1, 1]} : vector<10000x48xf32> to vector<10000x16xf32>
    %mul3A = arith.mulf %logistic3A_56, %slice3A_67 : vector<10000x16xf32>
    %add3A_68 = arith.addf %slice3A_66, %mul3A : vector<10000x16xf32>
    %tanh3A = math.tanh %add3A_68 : vector<10000x16xf32>
    %sub3A = arith.constant 1.000000e+00 : f32
    %sub3A_69 = vector.broadcast %sub3A : f32 to vector<10000x16xf32>
    %sub3A_70 = arith.subf %sub3A_69, %logistic3A_65 : vector<10000x16xf32>
    %mul3A_71 = arith.mulf %sub3A_70, %tanh3A : vector<10000x16xf32>
    %mul3A_72 = arith.mulf %logistic3A_65, %get3A_13 : vector<10000x16xf32>
    %add3A_73 = arith.addf %mul3A_71, %mul3A_72 : vector<10000x16xf32>
    %swap3A = arith.constant 0 : index
    %swap3A_74 = arith.constant 0 : index
    %swap3A_75 = vector.load %arg11[%swap3A, %swap3A_74] : memref<10000x16xf32, #tpu.memory_space<vmem>>, vector<10000x16xf32>
    tpu.vector_store %arg11[%swap3A, %swap3A_74], %add3A_73 {strides = array<i32>} : memref<10000x16xf32, #tpu.memory_space<vmem>>, vector<10000x16xf32>,
    return
  }
}

module attributes {stable_mosaic.version = 14 : i64} {
  func.func @_update_final_body(%arg0: memref<10000x16xf32, #tpu.memory_space<vmem>>, %arg1: memref<10000x16xf32, #tpu.memory_space<vmem>>, %arg2: memref<10000x16xf32, #tpu.memory_space<vmem>>, %arg3: memref<10000x16xf32, #tpu.memory_space<vmem>>, %arg4: memref<10000x16xf32, #tpu.memory_space<vmem>>, %arg5: memref<16x16xf32, #tpu.memory_space<vmem>>, %arg6: memref<1x16xf32, #tpu.memory_space<vmem>>, %arg7: memref<16x48xf32, #tpu.memory_space<vmem>>, %arg8: memref<1x48xf32, #tpu.memory_space<vmem>>, %arg9: memref<16x48xf32, #tpu.memory_space<vmem>>, %arg10: memref<1x48xf32, #tpu.memory_space<vmem>>, %arg11: memref<10000x1xi32, #tpu.memory_space<vmem>>, %arg12: memref<64x16xf32, #tpu.memory_space<vmem>>, %arg13: memref<16x16xf32, #tpu.memory_space<vmem>>, %arg14: memref<16x16xf32, #tpu.memory_space<vmem>>, %arg15: memref<1x16xf32, #tpu.memory_space<vmem>>, %arg16: memref<16x16xf32, #tpu.memory_space<vmem>>, %arg17: memref<1x16xf32, #tpu.memory_space<vmem>>, %arg18: memref<10000x16xf32, #tpu.memory_space<vmem>>) attributes {dimension_semantics = [], scalar_prefetch = 0 : i64, scratch_operands = 0 : i64, tpu.core_type = #tpu.core_type<tc>} {
    %get3A = arith.constant 0 : index
    %get3A_0 = arith.constant 0 : index
    %get3A_1 = vector.load %arg0[%get3A, %get3A_0] : memref<10000x16xf32, #tpu.memory_space<vmem>>, vector<10000x16xf32>
    %get3A_2 = arith.constant 0 : index
    %get3A_3 = arith.constant 0 : index
    %get3A_4 = vector.load %arg1[%get3A_2, %get3A_3] : memref<10000x16xf32, #tpu.memory_space<vmem>>, vector<10000x16xf32>
    %get3A_5 = arith.constant 0 : index
    %get3A_6 = arith.constant 0 : index
    %get3A_7 = vector.load %arg2[%get3A_5, %get3A_6] : memref<10000x16xf32, #tpu.memory_space<vmem>>, vector<10000x16xf32>
    %get3A_8 = arith.constant 0 : index
    %get3A_9 = arith.constant 0 : index
    %get3A_10 = vector.load %arg3[%get3A_8, %get3A_9] : memref<10000x16xf32, #tpu.memory_space<vmem>>, vector<10000x16xf32>
    %get3A_11 = arith.constant 0 : index
    %get3A_12 = arith.constant 0 : index
    %get3A_13 = vector.load %arg4[%get3A_11, %get3A_12] : memref<10000x16xf32, #tpu.memory_space<vmem>>, vector<10000x16xf32>
    %get3A_14 = arith.constant 0 : index
    %get3A_15 = arith.constant 0 : index
    %get3A_16 = vector.load %arg5[%get3A_14, %get3A_15] : memref<16x16xf32, #tpu.memory_space<vmem>>, vector<16x16xf32>
    %get3A_17 = arith.constant 0 : index
    %get3A_18 = arith.constant 0 : index
    %get3A_19 = vector.load %arg6[%get3A_17, %get3A_18] : memref<1x16xf32, #tpu.memory_space<vmem>>, vector<1x16xf32>
    %get3A_20 = arith.constant 0 : index
    %get3A_21 = arith.constant 0 : index
    %get3A_22 = vector.load %arg7[%get3A_20, %get3A_21] : memref<16x48xf32, #tpu.memory_space<vmem>>, vector<16x48xf32>
    %get3A_23 = arith.constant 0 : index
    %get3A_24 = arith.constant 0 : index
    %get3A_25 = vector.load %arg8[%get3A_23, %get3A_24] : memref<1x48xf32, #tpu.memory_space<vmem>>, vector<1x48xf32>
    %get3A_26 = arith.constant 0 : index
    %get3A_27 = arith.constant 0 : index
    %get3A_28 = vector.load %arg9[%get3A_26, %get3A_27] : memref<16x48xf32, #tpu.memory_space<vmem>>, vector<16x48xf32>
    %get3A_29 = arith.constant 0 : index
    %get3A_30 = arith.constant 0 : index
    %get3A_31 = vector.load %arg10[%get3A_29, %get3A_30] : memref<1x48xf32, #tpu.memory_space<vmem>>, vector<1x48xf32>
    %add3A = arith.addf %get3A_1, %get3A_4 : vector<10000x16xf32>
    %add3A_32 = arith.addf %get3A_7, %get3A_10 : vector<10000x16xf32>
    %max3A = arith.constant 1.000000e+00 : f32
    %max3A_33 = vector.broadcast %max3A : f32 to vector<10000x16xf32>
    %max3A_34 = arith.maximumf %add3A_32, %max3A_33 : vector<10000x16xf32>
    %div3A = arith.divf %add3A, %max3A_34 : vector<10000x16xf32>
    %dot_general3A = arith.constant dense<0.000000e+00> : vector<10000x16xf32>
    %dot_general3A_35 = tpu.matmul %get3A_13, %get3A_16, %dot_general3A {dimension_numbers = #tpu.dot_dimension_numbers<[1], [0], [0], [1], [0, 0, 1, 1], [], []>, transpose_lhs_hint = false} : vector<10000x16xf32>, vector<16x16xf32>, vector<10000x16xf32> -> vector<10000x16xf32>
    %add3A_36 = arith.addf %div3A, %dot_general3A_35 : vector<10000x16xf32>
    %add3A_37 = vector.broadcast %get3A_19 : vector<1x16xf32> to vector<10000x16xf32>
    %add3A_38 = arith.addf %add3A_36, %add3A_37 : vector<10000x16xf32>
    %max3A_39 = arith.constant 0.000000e+00 : f32
    %max3A_40 = vector.broadcast %max3A_39 : f32 to vector<10000x16xf32>
    %max3A_41 = arith.maximumf %add3A_38, %max3A_40 : vector<10000x16xf32>
    %dot_general3A_42 = arith.constant dense<0.000000e+00> : vector<10000x48xf32>
    %dot_general3A_43 = tpu.matmul %max3A_41, %get3A_22, %dot_general3A_42 {dimension_numbers = #tpu.dot_dimension_numbers<[1], [0], [0], [1], [0, 0, 1, 1], [], []>, transpose_lhs_hint = false} : vector<10000x16xf32>, vector<16x48xf32>, vector<10000x48xf32> -> vector<10000x48xf32>
    %add3A_44 = vector.broadcast %get3A_25 : vector<1x48xf32> to vector<10000x48xf32>
    %add3A_45 = arith.addf %dot_general3A_43, %add3A_44 : vector<10000x48xf32>
    %dot_general3A_46 = arith.constant dense<0.000000e+00> : vector<10000x48xf32>
    %dot_general3A_47 = tpu.matmul %get3A_13, %get3A_28, %dot_general3A_46 {dimension_numbers = #tpu.dot_dimension_numbers<[1], [0], [0], [1], [0, 0, 1, 1], [], []>, transpose_lhs_hint = false} : vector<10000x16xf32>, vector<16x48xf32>, vector<10000x48xf32> -> vector<10000x48xf32>
    %add3A_48 = vector.broadcast %get3A_31 : vector<1x48xf32> to vector<10000x48xf32>
    %add3A_49 = arith.addf %dot_general3A_47, %add3A_48 : vector<10000x48xf32>
    %slice3A = vector.extract_strided_slice %add3A_45 {offsets = [0, 0], sizes = [10000, 16], strides = [1, 1]} : vector<10000x48xf32> to vector<10000x16xf32>
    %slice3A_50 = vector.extract_strided_slice %add3A_49 {offsets = [0, 0], sizes = [10000, 16], strides = [1, 1]} : vector<10000x48xf32> to vector<10000x16xf32>
    %add3A_51 = arith.addf %slice3A, %slice3A_50 : vector<10000x16xf32>
    %logistic3A = arith.negf %add3A_51 : vector<10000x16xf32>
    %logistic3A_52 = math.exp %logistic3A : vector<10000x16xf32>
    %logistic3A_53 = arith.constant 1.000000e+00 : f32
    %logistic3A_54 = vector.broadcast %logistic3A_53 : f32 to vector<10000x16xf32>
    %logistic3A_55 = arith.addf %logistic3A_54, %logistic3A_52 : vector<10000x16xf32>
    %logistic3A_56 = arith.divf %logistic3A_54, %logistic3A_55 : vector<10000x16xf32>
    %slice3A_57 = vector.extract_strided_slice %add3A_45 {offsets = [0, 16], sizes = [10000, 16], strides = [1, 1]} : vector<10000x48xf32> to vector<10000x16xf32>
    %slice3A_58 = vector.extract_strided_slice %add3A_49 {offsets = [0, 16], sizes = [10000, 16], strides = [1, 1]} : vector<10000x48xf32> to vector<10000x16xf32>
    %add3A_59 = arith.addf %slice3A_57, %slice3A_58 : vector<10000x16xf32>
    %logistic3A_60 = arith.negf %add3A_59 : vector<10000x16xf32>
    %logistic3A_61 = math.exp %logistic3A_60 : vector<10000x16xf32>
    %logistic3A_62 = arith.constant 1.000000e+00 : f32
    %logistic3A_63 = vector.broadcast %logistic3A_62 : f32 to vector<10000x16xf32>
    %logistic3A_64 = arith.addf %logistic3A_63, %logistic3A_61 : vector<10000x16xf32>
    %logistic3A_65 = arith.divf %logistic3A_63, %logistic3A_64 : vector<10000x16xf32>
    %slice3A_66 = vector.extract_strided_slice %add3A_45 {offsets = [0, 32], sizes = [10000, 16], strides = [1, 1]} : vector<10000x48xf32> to vector<10000x16xf32>
    %slice3A_67 = vector.extract_strided_slice %add3A_49 {offsets = [0, 32], sizes = [10000, 16], strides = [1, 1]} : vector<10000x48xf32> to vector<10000x16xf32>
    %mul3A = arith.mulf %logistic3A_56, %slice3A_67 : vector<10000x16xf32>
    %add3A_68 = arith.addf %slice3A_66, %mul3A : vector<10000x16xf32>
    %tanh3A = math.tanh %add3A_68 : vector<10000x16xf32>
    %sub3A = arith.constant 1.000000e+00 : f32
    %sub3A_69 = vector.broadcast %sub3A : f32 to vector<10000x16xf32>
    %sub3A_70 = arith.subf %sub3A_69, %logistic3A_65 : vector<10000x16xf32>
    %mul3A_71 = arith.mulf %sub3A_70, %tanh3A : vector<10000x16xf32>
    %mul3A_72 = arith.mulf %logistic3A_65, %get3A_13 : vector<10000x16xf32>
    %add3A_73 = arith.addf %mul3A_71, %mul3A_72 : vector<10000x16xf32>
    %get3A_74 = arith.constant 0 : index
    %get3A_75 = arith.constant 0 : index
    %get3A_76 = vector.load %arg11[%get3A_74, %get3A_75] : memref<10000x1xi32, #tpu.memory_space<vmem>>, vector<10000x1xi32>
    %iota3A = tpu.iota {dimensions = array<i32: 1>} : vector<10000x64xi32>
    %eq3A = vector.broadcast %get3A_76 : vector<10000x1xi32> to vector<10000x64xi32>
    %eq3A_77 = arith.cmpi eq, %eq3A, %iota3A : vector<10000x64xi32>
    %convert_element_type3A = arith.extui %eq3A_77 : vector<10000x64xi1> to vector<10000x64xi32>
    %convert_element_type3A_78 = arith.sitofp %convert_element_type3A : vector<10000x64xi32> to vector<10000x64xf32>
    %get3A_79 = arith.constant 0 : index
    %get3A_80 = arith.constant 0 : index
    %get3A_81 = vector.load %arg12[%get3A_79, %get3A_80] : memref<64x16xf32, #tpu.memory_space<vmem>>, vector<64x16xf32>
    %dot_general3A_82 = arith.constant dense<0.000000e+00> : vector<10000x16xf32>
    %dot_general3A_83 = tpu.matmul %convert_element_type3A_78, %get3A_81, %dot_general3A_82 {dimension_numbers = #tpu.dot_dimension_numbers<[1], [0], [0], [1], [0, 0, 1, 1], [], []>, transpose_lhs_hint = false} : vector<10000x64xf32>, vector<64x16xf32>, vector<10000x16xf32> -> vector<10000x16xf32>
    %get3A_84 = arith.constant 0 : index
    %get3A_85 = arith.constant 0 : index
    %get3A_86 = vector.load %arg13[%get3A_84, %get3A_85] : memref<16x16xf32, #tpu.memory_space<vmem>>, vector<16x16xf32>
    %dot_general3A_87 = arith.constant dense<0.000000e+00> : vector<10000x16xf32>
    %dot_general3A_88 = tpu.matmul %add3A_73, %get3A_86, %dot_general3A_87 {dimension_numbers = #tpu.dot_dimension_numbers<[1], [0], [0], [1], [0, 0, 1, 1], [], []>, transpose_lhs_hint = false} : vector<10000x16xf32>, vector<16x16xf32>, vector<10000x16xf32> -> vector<10000x16xf32>
    %get3A_89 = arith.constant 0 : index
    %get3A_90 = arith.constant 0 : index
    %get3A_91 = vector.load %arg14[%get3A_89, %get3A_90] : memref<16x16xf32, #tpu.memory_space<vmem>>, vector<16x16xf32>
    %dot_general3A_92 = arith.constant dense<0.000000e+00> : vector<10000x16xf32>
    %dot_general3A_93 = tpu.matmul %dot_general3A_83, %get3A_91, %dot_general3A_92 {dimension_numbers = #tpu.dot_dimension_numbers<[1], [0], [0], [1], [0, 0, 1, 1], [], []>, transpose_lhs_hint = false} : vector<10000x16xf32>, vector<16x16xf32>, vector<10000x16xf32> -> vector<10000x16xf32>
    %add3A_94 = arith.addf %dot_general3A_88, %dot_general3A_93 : vector<10000x16xf32>
    %get3A_95 = arith.constant 0 : index
    %get3A_96 = arith.constant 0 : index
    %get3A_97 = vector.load %arg15[%get3A_95, %get3A_96] : memref<1x16xf32, #tpu.memory_space<vmem>>, vector<1x16xf32>
    %add3A_98 = vector.broadcast %get3A_97 : vector<1x16xf32> to vector<10000x16xf32>
    %add3A_99 = arith.addf %add3A_94, %add3A_98 : vector<10000x16xf32>
    %max3A_100 = arith.constant 0.000000e+00 : f32
    %max3A_101 = vector.broadcast %max3A_100 : f32 to vector<10000x16xf32>
    %max3A_102 = arith.maximumf %add3A_99, %max3A_101 : vector<10000x16xf32>
    %get3A_103 = arith.constant 0 : index
    %get3A_104 = arith.constant 0 : index
    %get3A_105 = vector.load %arg16[%get3A_103, %get3A_104] : memref<16x16xf32, #tpu.memory_space<vmem>>, vector<16x16xf32>
    %dot_general3A_106 = arith.constant dense<0.000000e+00> : vector<10000x16xf32>
    %dot_general3A_107 = tpu.matmul %max3A_102, %get3A_105, %dot_general3A_106 {dimension_numbers = #tpu.dot_dimension_numbers<[1], [0], [0], [1], [0, 0, 1, 1], [], []>, transpose_lhs_hint = false} : vector<10000x16xf32>, vector<16x16xf32>, vector<10000x16xf32> -> vector<10000x16xf32>
    %get3A_108 = arith.constant 0 : index
    %get3A_109 = arith.constant 0 : index
    %get3A_110 = vector.load %arg17[%get3A_108, %get3A_109] : memref<1x16xf32, #tpu.memory_space<vmem>>, vector<1x16xf32>
    %add3A_111 = vector.broadcast %get3A_110 : vector<1x16xf32> to vector<10000x16xf32>
    %add3A_112 = arith.addf %dot_general3A_107, %add3A_111 : vector<10000x16xf32>
    %swap3A = arith.constant 0 : index
    %swap3A_113 = arith.constant 0 : index
    %swap3A_114 = vector.load %arg18[%swap3A, %swap3A_113] : memref<10000x16xf32, #tpu.memory_space<vmem>>, vector<10000x16xf32>
    tpu.vector_store %arg18[%swap3A, %swap3A_113], %add3A_112 {strides = array<i32>} : memref<10000x16xf32, #tpu.memory_space<vmem>>, vector<10000x16xf32>,
    return
  }
}

</mosaic_0001>

<sc_bundles>
// kernel: kernel.11.cloned.1.call-start
scs
__scs_entry_jumppad:
0x0: {  	(pc) =	sbr.rel $0x88, $3  }
0x1: {  	(tag) =	ssettag $0x0;
	lr =	simm.s32 $0x1  }
0x2: {  	[smem:$0x3F8C] =	sst lr;
	_ =	strace $0xD0000000  }
0x3: {  	_ = 	snop  }
0x4: {  	_ = 	snop  }
0x5: {  	_ = 	snop  }
0x6: {  	_ = 	snop  }
0x7: {  	_ = 	snop  }
__scs_overlays_trampoline_lowered:
0x8: {  	[smem:$0x3F9B] =	sst s0  }
0x9: {  	[smem:$0x3F9C] =	sst s1  }
0xa: {  	[smem:$0x3F9D] =	sst s2  }
0xb: {  	[smem:$0x3F9E] =	sst s3  }
0xc: {  	[smem:$0x3F9F] =	sst s4  }
0xd: {  	[smem:$0x3FA0] =	sst s5  }
0xe: {  	[smem:$0x3FA1] =	sst s6  }
0xf: {  	[smem:$0x3FA2] =	sst s7  }
0x10: {  	[smem:$0x3FA3] =	sst s8  }
0x11: {  	[smem:$0x3FA4] =	sst s9;
	s0 =	simm.s32 @!p0 $0x0  }
0x12: {  	s1 =	sld [smem:$0x3F8A];
	s0 =	simm.s32 @p0 $0x1  }
0x13: {  	[smem:$0x3FA5] =	sst s0;
	s0 =	simm.s32 @!p1 $0x0  }
0x14: {  	s2 =	sld [smem:$0x3F89];
	s0 =	simm.s32 @p1 $0x1  }
0x15: {  	[smem:$0x3FA6] =	sst s0;
	s0 =	simm.s32 @!p2 $0x0  }
0x16: {  	s3 =	sld [smem:$0x3FDB];
	s0 =	simm.s32 @p2 $0x1  }
0x17: {  	s4 =	simm.s32 $0x1BF5;
	[smem:$0x3FA8] =	sst s0  }
0x18: {  	s0 =	sld [smem:$0x3F8B];
	_ =	swait.ge [sflag:s4], $0x0  }
0x19: {  	s7 =	sld [smem:$0x3F8C]  }
0x1a: {  	s8 =	sadd.s32 $0xFFFFE003, lr  }
0x1b: {  	s9 =	sadd.s32 $0xFFFFFEF7, lr;
	s5 =	simm.s32 $0xFFFFFFFF;
	p2 =	slt.u32 s8, $0xFFFFF086  }
0x1c: {  	p1 =	slt.u32 s9, $0xF7A;
	s5 =	simm.s32 @!p2 $0x0  }
0x1d: {  	s5 =	simm.s32 @p1 $0x1;
	p0 =	seq.s32 s7, s2  }
0x1e: {  	s7 =	smul.u32 @!p0 $0xF7A, s2;
	p2 =	seq.s32 @!p0 s5, $0x0  }
0x1f: {  	s9 =	smul.u32 $0xF7A, s1;
	s8 =	simm.s32 @!p0 $0x1BF5;
	p2 =	por !p2, p0  }
0x20: {  	[sflag:s8] =	ssyncset.s32 @!p0 $0xFFFFF086;
	s6 =	sadd.s32 @!p0 s3, s7;
	s7 =	simm.s32 @!p0 $0x108  }
0x21: {  	s3 =	sadd.s32 s3, s9;
	s6 =	sadd.s32 @!p0 $0x88, s6;
	s7 =	simm.s32 @p2 $0x1082  }
0x22: {  	[simem:s7], [sflag:s8] =	dma.local @!p0 [hbm:s6], $0xF7A  }
0x23: {  	s9 =	sor.u32 $0xD0000000, s2;
	s6 =	simm.s32 $0x108;
	_ =	swait.ge @!p0 [sflag:s8], $0x0  }
0x24: {  	s3 =	sadd.s32 $0x88, s3;
	s6 =	simm.s32 @!p1 $0x1082;
	[sflag:s4] =	ssyncset.s32 $0xFFFFF086  }
0x25: {  	[simem:s6], [sflag:s4] =	dma.local [hbm:s3], $0xF7A  }
0x26: {  	[smem:$0x3F8C] =	sst s1;
	(tag) =	ssettag s2;
	_ =	strace s9  }
0x27: {  	s1 =	sld [smem:$0x3F9C]  }
0x28: {  	s2 =	sld [smem:$0x3F9D]  }
0x29: {  	s4 =	sld [smem:$0x3F9F]  }
0x2a: {  	p0 =	seq.s32 s5, $0x0;
	s5 =	sld [smem:$0x3FA0]  }
0x2b: {  	s6 =	sld [smem:$0x3FA1]  }
0x2c: {  	s7 =	sld [smem:$0x3FA2]  }
0x2d: {  	s3 =	simm.s32 $0x108;
	s8 =	sld [smem:$0x3FA3]  }
0x2e: {  	s3 =	simm.s32 @!p0 $0x1082;
	s9 =	sld [smem:$0x3FA4]  }
0x2f: {  	lr =	sadd.s32 s0, s3;
	s0 =	sld [smem:$0x3F9B]  }
0x30: {  	s3 =	sld [smem:$0x3F9E]  }
0x31: {  	[smem:$0x3FA7] =	sst s10  }
0x32: {  	s10 =	sld [smem:$0x3FA5];
	_ =	sdelay $0x3  }
0x33: {  	p0 =	seq.s32 s10, $0x1;
	s10 =	sld [smem:$0x3FA7];
	_ =	sdelay $0x3  }
0x34: {  	[smem:$0x3FA7] =	sst s10  }
0x35: {  	s10 =	sld [smem:$0x3FA6];
	_ =	sdelay $0x3  }
0x36: {  	p1 =	seq.s32 s10, $0x1;
	s10 =	sld [smem:$0x3FA7];
	_ =	sdelay $0x3  }
0x37: {  	[smem:$0x3FA7] =	sst s10  }
0x38: {  	s10 =	sld [smem:$0x3FA8]  }
0x39: {  	_ = 	snop;
	(pc) =	sbr.ind lr, $3  }
0x3a: {  	_ = 	snop  }
0x3b: {  	_ = 	snop  }
0x3c: {  	p2 =	seq.s32 s10, $0x1;
	s10 =	sld [smem:$0x3FA7]  }
0x3d: {  	_ =	shalt  }
0x3e: {  	_ =	shalt  }
0x3f: {  	_ =	shalt  }
0x40: {  	_ =	shalt  }
0x41: {  	_ =	shalt  }
0x42: {  	_ =	shalt  }
0x43: {  	_ =	shalt  }
0x44: {  	_ =	shalt  }
0x45: {  	_ =	shalt  }
0x46: {  	_ =	shalt  }
0x47: {  	_ =	shalt  }
0x48: {  	_ =	shalt  }
0x49: {  	_ =	shalt  }
0x4a: {  	_ =	shalt  }
0x4b: {  	_ =	shalt  }
0x4c: {  	_ =	shalt  }
0x4d: {  	_ =	shalt  }
0x4e: {  	_ =	shalt  }
0x4f: {  	_ =	shalt  }
0x50: {  	_ =	shalt  }
0x51: {  	_ =	shalt  }
0x52: {  	_ =	shalt  }
0x53: {  	_ =	shalt  }
0x54: {  	_ =	shalt  }
0x55: {  	_ =	shalt  }
0x56: {  	_ =	shalt  }
0x57: {  	_ =	shalt  }
0x58: {  	_ =	shalt  }
0x59: {  	_ =	shalt  }
0x5a: {  	_ =	shalt  }
0x5b: {  	_ =	shalt  }
0x5c: {  	_ =	shalt  }
0x5d: {  	_ =	shalt  }
0x5e: {  	_ =	shalt  }
0x5f: {  	_ =	shalt  }
0x60: {  	_ =	shalt  }
0x61: {  	_ =	shalt  }
0x62: {  	_ =	shalt  }
0x63: {  	_ =	shalt  }
0x64: {  	_ =	shalt  }
0x65: {  	_ =	shalt  }
0x66: {  	_ =	shalt  }
0x67: {  	_ =	shalt  }
0x68: {  	_ =	shalt  }
0x69: {  	_ =	shalt  }
0x6a: {  	_ =	shalt  }
0x6b: {  	_ =	shalt  }
0x6c: {  	_ =	shalt  }
0x6d: {  	_ =	shalt  }
0x6e: {  	_ =	shalt  }
0x6f: {  	_ =	shalt  }
0x70: {  	_ =	shalt  }
0x71: {  	_ =	shalt  }
0x72: {  	_ =	shalt  }
0x73: {  	_ =	shalt  }
0x74: {  	_ =	shalt  }
0x75: {  	_ =	shalt  }
0x76: {  	_ =	shalt  }
0x77: {  	_ =	shalt  }
0x78: {  	_ =	shalt  }
0x79: {  	_ =	shalt  }
0x7a: {  	_ =	shalt  }
0x7b: {  	_ =	shalt  }
0x7c: {  	_ =	shalt  }
0x7d: {  	_ =	shalt  }
0x7e: {  	_ =	shalt  }
0x7f: {  	_ =	shalt  }
0x80: {  	_ =	shalt  }
0x81: {  	_ =	shalt  }
0x82: {  	_ =	shalt  }
0x83: {  	_ =	shalt  }
0x84: {  	_ =	shalt  }
0x85: {  	_ =	shalt  }
0x86: {  	_ =	shalt  }
0x87: {  	_ =	shalt  }
.Lfunc_end0:
.L_simem_size_0:
called_computation_lowered:
.L_overlay_start_0:
0x88: {  	s2 =	sld [smem:$0x3FD9]  }
0x89: {  	s3 =	sld [smem:$0x3FFE];
	_ =	sdelay $0x1  }
0x8a: {  	s1 =	srdreg.scid  }
0x8b: {  	s0 =	sand.u32 $0x1, s1  }
0x8c: {  	s17 =	sshll.u32 s0, $0xA;
	s2 =	sadd.s32 s3, s2  }
0x8d: {  	s2 =	sadd.s32 s2, s17  }
0x8e: {  	[smem:$0x3FB3] =	sst s2  }
0x8f: {  	_ = 	snop  }
0x90: {  	s2 =	sld [smem:$0x3FD0];
	(tm) =	ssettm $0x1  }
0x91: {  	s18 =	sld [smem:$0x3FFB];
	_ =	sdelay $0x3  }
0x92: {  	_ =	strace s18  }
0x93: {  	s3 =	sld [smem:$0x3FFC];
	_ =	sdelay $0x3  }
0x94: {  	_ =	strace s3  }
0x95: {  	s3 =	sld [smem:$0x3FFD];
	_ =	sdelay $0x3  }
0x96: {  	_ =	strace s3  }
0x97: {  	_ =	strace $0x8FFFFFFF  }
0x98: {  	s19 =	sld [smem:$0x3FDB];
	_ =	sdelay $0x1  }
0x99: {  	s4 =	simm.s32 $_scs_section_size  }
0x9a: {  	s5 =	simm.s32 $_size__tile_overlayer_lowered;
	s6 =	simm.s32 $_tile_overlayer_lowered  }
0x9b: {  	s22 =	simm.s32 $0x1BFF;
	s21 =	sshll.u32 s6, $0x1;
	s3 =	sadd.s32 s4, s19  }
0x9c: {  	s7 =	simm.s32 $0x0;
	s20 =	sshll.u32 s5, $0x1;
	s5 =	sadd.s32 s21, s3  }
0x9d: {  	[timem:s7], [sflag:s22] =	dma.local [hbm:s5], s20  }
0x9e: {  	_ =	swait.ge [sflag:s22], s20  }
0x9f: {  	s4 =	ssub.s32 $0x0, s20;
	[sflag:s22] =	ssyncset.done $0x0  }
0xa0: {  	[sflag:s22] =	ssyncadd.s32 s4;
	_ =	sdelay $0x1  }
0xa1: {  	s23 =	simm.s32 $0x1B8B  }
0xa2: {  	_ =	swait.ge [sflag:s23], $0x1  }
0xa3: {  	[sflag:s23] =	ssyncset.done $0x0  }
0xa4: {  	s25 =	simm.s32 $0x1B8E;
	s24 =	sld [smem:$0x3FFE];
	[sflag:s23] =	ssyncadd.s32 $0xFFFFFFFF  }
0xa5: {  	s26 =	simm.s32 $execute0_lowered;
	[smem:$0x3FD2] =	sst s25  }
0xa6: {  	s5 =	sshll.u32 s26, $0x1;
	_ =	strace $0x80000046;
	[dreg:$0x1] =	wrdreg $0xFFFFFFFF  }
0xa7: {  	s28 =	simm.s32 $_size_execute0_lowered;
	s3 =	sadd.s32 s3, s5;
	[dreg:$0x0] =	wrdreg $0x0  }
0xa8: {  	s5 =	sshll.u32 s28, $0x1;
	[dreg:$0x2] =	wrdreg s3  }
0xa9: {  	[dreg:$0x3] =	wrdreg s5  }
0xaa: {  	[dreg:$0x4] =	wrdreg $0xC0  }
0xab: {  	_ =	task [dreg:s7], $0x5FFFF  }
0xac: {  	[dreg:$0x1] =	wrdreg $0xFFFFFFFF  }
0xad: {  	[dreg:$0x0] =	wrdreg $0x60  }
0xae: {  	[dreg:$0x2] =	wrdreg s2  }
0xaf: {  	[dreg:$0x3] =	wrdreg s24  }
0xb0: {  	[dreg:$0x4] =	wrdreg $0x9  }
0xb1: {  	_ =	task.clear_ibuf [dreg:s7], $0x5FFFF;
	_ =	strace $0x90000046  }
0xb2: {  	s29 =	simm.s32 $0x9;
	_ =	strace $0x80000048  }
0xb3: {  	_ =	swait.ge [sflag:s29], $0x1  }
0xb4: {  	[sflag:s29] =	ssyncadd.s32 $0xFFFFFFFF  }
0xb5: {  	_ =	strace $0x90000048  }
0xb6: {  	_ =	sfence  }
0xb7: {  	s30 =	sld [smem:$0x0];
	_ =	sdelay $0x2  }
0xb8: {  	s31 =	sshll.u32 s1, $0xD;
	s1 =	sshrl.u32 s1, $0x2  }
0xb9: {  	s3 =	sand.u32 $0x4000, s31;
	s1 =	sadd.s32 s1, s30  }
0xba: {  	s0 =	sor.u32 s3, s0;
	s1 =	sshll.u32 s1, $0x11  }
0xbb: {  	s0 =	sor.u32 s1, s0  }
0xbc: {  	s0 =	sadd.s32 $0x8F2B, s0  }
0xbd: {  	[sflag:s0] =	ssyncadd.remote.s32 $0x1  }
0xbe: {  	_ =	sfence.sel $0xFFFF  }
0xbf: {  	[dreg:$0x0] =	wrdreg $0xFFFFFFFF;
	(pc) =	sbr.abs _section_cstart, $3  }
0xc0: {  	[dreg:$0x1] =	wrdreg $0xFFFFFFFF  }
0xc1: {  	_ =	task.clear_ibuf [dreg:s7], $0x2FFFF;
	_ =	strace $0x9FFFFFFF  }
0xc2: {  	(tm) =	ssettm $0x7FFFFFFF  }
0xc3: {  	_ =	shalt  }
tec
execute0_lowered:
.L_overlay_start_1:
0x0: {  	(tag) =	ssettag $0x1  }
0x1: {  	s1 =	srdreg.scid;
	s2 =	rddreg [dreg:$0x0]  }
0x2: {  	s0 =	stileid.u32;
	s5 =	rddreg [dreg:$0x1]  }
0x3: {  	s3 =	simm.s32 $0x0;
	s11 =	simm.s32 $0x0;
	s4 =	sand.u32 $0x1, s1  }
0x4: {  	s28 =	sshll.u32 s0, $0x1;
	s1 =	rddreg [dreg:$0x2];
	s7 =	smul.u32 $0x9C40, s0  }
0x5: {  	[smem:$0x7FF] =	sst s3;
	s6 =	sor.u32 s4, s28;
	s10 =	smul.u32 $0x4E20, s4  }
0x6: {  	s8 =	ssub.s32 $0x2, s4;
	_ =	strace $0x80000047;
	s6 =	smul.u32 $0x4E2, s6  }
0x7: {  	s9 =	sshrl.u32 s8, $0x1;
	s30 =	sadd.s32 s7, s5;
	s7 =	simm.s32 $0x2  }
0x8: {  	s31 =	ssub.s32 s8, s9;
	s8 =	simm.s32 $0x50;
	s9 =	simm.s32 $0x2710  }
0x9: {  	s29 =	sadd.s32 s6, s5;
	s5 =	smax.u32 s31, $0x1;
	s6 =	sadd.s32 s10, s30  }
0xa: {  	s10 =	simm.s32 $0x1;
	s4 =	sadd.s32 $0x7200, s29;
	s6 =	sadd.s32 $0x42000, s6  }
.LBB2_1:
0xb: {  	[tilespmem:s3], [sflag:$0x2] =	stream.linear.gather [hbm4b:s4+s3], $0x2710, $0x38;
	[tilespmem:$0x2C10] =	vst v63  }
0xc: {  	_ =	swait.ge [sflag:s7], $0x2710  }
0xd: {  	[sflag:s7] =	ssyncset.done $0x0  }
0xe: {  	[sflag:s7] =	ssyncadd.s32 $0xFFFFD8F0  }
0xf: {  	[tilespmem:s9], [sflag:$0x1] =	stream.indirect.gather [hbm4b:s2+s8], $0x10, s3, s8, $0xb8;
	[tilespmem:$0x2C10] =	vst v63  }
0x10: {  	_ =	swait.ge [sflag:s10], $0x500  }
0x11: {  	[sflag:s10] =	ssyncset.done $0x0  }
0x12: {  	s12 =	sadd.s32 $0x0, s6;
	[sflag:s10] =	ssyncadd.s32 $0xFFFFFB00  }
0x13: {  	[hbm4b:s12+s3] =	stream.linear.scatter [tilespmem:s9], [sflag:$0x2], $0x500, $0x38;
	[tilespmem:$0x2C10] =	vst v63  }
0x14: {  	_ =	swait.ge [sflag:s7], $0x500  }
0x15: {  	s13 =	simm.s32 $0x0;
	s12 =	simm.s32 $0xA0;
	[sflag:s7] =	ssyncset.done $0x0  }
.LBB2_2:
0x16: {  	p0 =	sne.s32 s12, $0x4D80;
	[sflag:s7] =	ssyncadd.s32 $0xFFFFFB00;
	s13 =	sadd.s32 $0x50, s13  }
0x17: {  	[tilespmem:s9], [sflag:$0x1] =	stream.indirect.gather [hbm4b:s2+s8], $0x10, s13, s8, $0xb8;
	[tilespmem:$0x2C10] =	vst v63  }
0x18: {  	s14 =	smov.u32 s12;
	s12 =	sadd.s32 $0xA0, s12;
	_ =	swait.ge [sflag:s10], $0x500  }
.Ltmp0:
0x19: {  	[sflag:s10] =	ssyncset.done $0x0;
	(pc) =	sbr.rel @p0 .LBB2_2-.Ltmp0, $4  }
0x1a: {  	s14 =	sadd.s32 s14, s6;
	[sflag:s10] =	ssyncadd.s32 $0xFFFFFB00  }
0x1b: {  	[hbm4b:s14+s3] =	stream.linear.scatter [tilespmem:s9], [sflag:$0x2], $0x500, $0x38;
	[tilespmem:$0x2C10] =	vst v63  }
0x1c: {  	_ =	swait.ge [sflag:s7], $0x500  }
0x1d: {  	[sflag:s7] =	ssyncset.done $0x0  }
0x1e: {  	s11 =	sadd.s32 $0x1, s11  }
0x1f: {  	p0 =	sne.s32 s11, s5  }
.Ltmp1:
0x20: {  	_ = 	snop;
	(pc) =	sbr.rel @p0 .LBB2_1-.Ltmp1, $2  }
0x21: {  	_ =	sdelay $0x2  }
0x22: {  	[sflag:s7] =	ssyncadd.s32 $0xFFFFFB00  }
0x23: {  	_ =	sfence.sel $0x180000  }
0x24: {  	[bflag:$0x0] =	sbarrier.arrive $0xFFFF  }
0x25: {  	p0 =	sne.s32 s0, $0x0;
	_ =	strace $0x90000047  }
0x26: {  	s0 =	sadd.s32 @!p0 $0x100000, s1;
	[bflag:$0x2] =	sbarrier.arrive $0xFFFF  }
0x27: {  	[sflag:s0] =	ssyncadd.tile.s32 @!p0 $0x1;
	_ =	shalt  }
.Lfunc_end2:
_tile_overlayer_lowered:
.L_overlay_start_2:
0x28: {  	(tag) =	ssettag $0x2  }
0x29: {  	s0 =	rddreg [dreg:$0x0];
	s2 =	stileid.u32  }
0x2a: {  	s1 =	rddreg [dreg:$0x1];
	p0 =	sne.s32 s2, $0x0  }
0x2b: {  	s3 =	rddreg [dreg:$0x2];
	[bflag:$0x3] =	sbarrier.arrive $0xFFFF;
	s2 =	simm.s32 @!p0 $0x1C02  }
0x2c: {  	[timem:s3], [sflag:s2] =	dma.local @!p0 [hbm:s0], s1  }
0x2d: {  	s0 =	simm.s32 @!p0 $0x2  }
0x2e: {  	_ =	swait.ge @!p0 [sflag:s0], s1  }
0x2f: {  	s1 =	ssub.s32 @!p0 $0x0, s1;
	[sflag:s0] =	ssyncset.done @!p0 $0x0  }
0x30: {  	[sflag:s0] =	ssyncadd.s32 @!p0 s1  }
0x31: {  	[bflag:$0x3] =	sbarrier.arrive $0xFFFF  }
0x32: {  	_ =	shalt  }

// kernel: kernel.14.cloned.1.call-start
scs
__scs_entry_jumppad:
0x0: {  	(pc) =	sbr.rel $0x88, $3  }
0x1: {  	(tag) =	ssettag $0x0;
	lr =	simm.s32 $0x1  }
0x2: {  	[smem:$0x3F8C] =	sst lr;
	_ =	strace $0xD0000000  }
0x3: {  	_ = 	snop  }
0x4: {  	_ = 	snop  }
0x5: {  	_ = 	snop  }
0x6: {  	_ = 	snop  }
0x7: {  	_ = 	snop  }
__scs_overlays_trampoline_lowered:
0x8: {  	[smem:$0x3F9B] =	sst s0  }
0x9: {  	[smem:$0x3F9C] =	sst s1  }
0xa: {  	[smem:$0x3F9D] =	sst s2  }
0xb: {  	[smem:$0x3F9E] =	sst s3  }
0xc: {  	[smem:$0x3F9F] =	sst s4  }
0xd: {  	[smem:$0x3FA0] =	sst s5  }
0xe: {  	[smem:$0x3FA1] =	sst s6  }
0xf: {  	[smem:$0x3FA2] =	sst s7  }
0x10: {  	[smem:$0x3FA3] =	sst s8  }
0x11: {  	[smem:$0x3FA4] =	sst s9;
	s0 =	simm.s32 @!p0 $0x0  }
0x12: {  	s1 =	sld [smem:$0x3F8A];
	s0 =	simm.s32 @p0 $0x1  }
0x13: {  	[smem:$0x3FA5] =	sst s0;
	s0 =	simm.s32 @!p1 $0x0  }
0x14: {  	s2 =	sld [smem:$0x3F89];
	s0 =	simm.s32 @p1 $0x1  }
0x15: {  	[smem:$0x3FA6] =	sst s0;
	s0 =	simm.s32 @!p2 $0x0  }
0x16: {  	s3 =	sld [smem:$0x3FDB];
	s0 =	simm.s32 @p2 $0x1  }
0x17: {  	s4 =	simm.s32 $0x1BF5;
	[smem:$0x3FA8] =	sst s0  }
0x18: {  	s0 =	sld [smem:$0x3F8B];
	_ =	swait.ge [sflag:s4], $0x0  }
0x19: {  	s7 =	sld [smem:$0x3F8C]  }
0x1a: {  	s8 =	sadd.s32 $0xFFFFE003, lr  }
0x1b: {  	s9 =	sadd.s32 $0xFFFFFEF7, lr;
	s5 =	simm.s32 $0xFFFFFFFF;
	p2 =	slt.u32 s8, $0xFFFFF086  }
0x1c: {  	p1 =	slt.u32 s9, $0xF7A;
	s5 =	simm.s32 @!p2 $0x0  }
0x1d: {  	s5 =	simm.s32 @p1 $0x1;
	p0 =	seq.s32 s7, s2  }
0x1e: {  	s7 =	smul.u32 @!p0 $0xF7A, s2;
	p2 =	seq.s32 @!p0 s5, $0x0  }
0x1f: {  	s9 =	smul.u32 $0xF7A, s1;
	s8 =	simm.s32 @!p0 $0x1BF5;
	p2 =	por !p2, p0  }
0x20: {  	[sflag:s8] =	ssyncset.s32 @!p0 $0xFFFFF086;
	s6 =	sadd.s32 @!p0 s3, s7;
	s7 =	simm.s32 @!p0 $0x108  }
0x21: {  	s3 =	sadd.s32 s3, s9;
	s6 =	sadd.s32 @!p0 $0x88, s6;
	s7 =	simm.s32 @p2 $0x1082  }
0x22: {  	[simem:s7], [sflag:s8] =	dma.local @!p0 [hbm:s6], $0xF7A  }
0x23: {  	s9 =	sor.u32 $0xD0000000, s2;
	s6 =	simm.s32 $0x108;
	_ =	swait.ge @!p0 [sflag:s8], $0x0  }
0x24: {  	s3 =	sadd.s32 $0x88, s3;
	s6 =	simm.s32 @!p1 $0x1082;
	[sflag:s4] =	ssyncset.s32 $0xFFFFF086  }
0x25: {  	[simem:s6], [sflag:s4] =	dma.local [hbm:s3], $0xF7A  }
0x26: {  	[smem:$0x3F8C] =	sst s1;
	(tag) =	ssettag s2;
	_ =	strace s9  }
0x27: {  	s1 =	sld [smem:$0x3F9C]  }
0x28: {  	s2 =	sld [smem:$0x3F9D]  }
0x29: {  	s4 =	sld [smem:$0x3F9F]  }
0x2a: {  	p0 =	seq.s32 s5, $0x0;
	s5 =	sld [smem:$0x3FA0]  }
0x2b: {  	s6 =	sld [smem:$0x3FA1]  }
0x2c: {  	s7 =	sld [smem:$0x3FA2]  }
0x2d: {  	s3 =	simm.s32 $0x108;
	s8 =	sld [smem:$0x3FA3]  }
0x2e: {  	s3 =	simm.s32 @!p0 $0x1082;
	s9 =	sld [smem:$0x3FA4]  }
0x2f: {  	lr =	sadd.s32 s0, s3;
	s0 =	sld [smem:$0x3F9B]  }
0x30: {  	s3 =	sld [smem:$0x3F9E]  }
0x31: {  	[smem:$0x3FA7] =	sst s10  }
0x32: {  	s10 =	sld [smem:$0x3FA5];
	_ =	sdelay $0x3  }
0x33: {  	p0 =	seq.s32 s10, $0x1;
	s10 =	sld [smem:$0x3FA7];
	_ =	sdelay $0x3  }
0x34: {  	[smem:$0x3FA7] =	sst s10  }
0x35: {  	s10 =	sld [smem:$0x3FA6];
	_ =	sdelay $0x3  }
0x36: {  	p1 =	seq.s32 s10, $0x1;
	s10 =	sld [smem:$0x3FA7];
	_ =	sdelay $0x3  }
0x37: {  	[smem:$0x3FA7] =	sst s10  }
0x38: {  	s10 =	sld [smem:$0x3FA8]  }
0x39: {  	_ = 	snop;
	(pc) =	sbr.ind lr, $3  }
0x3a: {  	_ = 	snop  }
0x3b: {  	_ = 	snop  }
0x3c: {  	p2 =	seq.s32 s10, $0x1;
	s10 =	sld [smem:$0x3FA7]  }
0x3d: {  	_ =	shalt  }
0x3e: {  	_ =	shalt  }
0x3f: {  	_ =	shalt  }
0x40: {  	_ =	shalt  }
0x41: {  	_ =	shalt  }
0x42: {  	_ =	shalt  }
0x43: {  	_ =	shalt  }
0x44: {  	_ =	shalt  }
0x45: {  	_ =	shalt  }
0x46: {  	_ =	shalt  }
0x47: {  	_ =	shalt  }
0x48: {  	_ =	shalt  }
0x49: {  	_ =	shalt  }
0x4a: {  	_ =	shalt  }
0x4b: {  	_ =	shalt  }
0x4c: {  	_ =	shalt  }
0x4d: {  	_ =	shalt  }
0x4e: {  	_ =	shalt  }
0x4f: {  	_ =	shalt  }
0x50: {  	_ =	shalt  }
0x51: {  	_ =	shalt  }
0x52: {  	_ =	shalt  }
0x53: {  	_ =	shalt  }
0x54: {  	_ =	shalt  }
0x55: {  	_ =	shalt  }
0x56: {  	_ =	shalt  }
0x57: {  	_ =	shalt  }
0x58: {  	_ =	shalt  }
0x59: {  	_ =	shalt  }
0x5a: {  	_ =	shalt  }
0x5b: {  	_ =	shalt  }
0x5c: {  	_ =	shalt  }
0x5d: {  	_ =	shalt  }
0x5e: {  	_ =	shalt  }
0x5f: {  	_ =	shalt  }
0x60: {  	_ =	shalt  }
0x61: {  	_ =	shalt  }
0x62: {  	_ =	shalt  }
0x63: {  	_ =	shalt  }
0x64: {  	_ =	shalt  }
0x65: {  	_ =	shalt  }
0x66: {  	_ =	shalt  }
0x67: {  	_ =	shalt  }
0x68: {  	_ =	shalt  }
0x69: {  	_ =	shalt  }
0x6a: {  	_ =	shalt  }
0x6b: {  	_ =	shalt  }
0x6c: {  	_ =	shalt  }
0x6d: {  	_ =	shalt  }
0x6e: {  	_ =	shalt  }
0x6f: {  	_ =	shalt  }
0x70: {  	_ =	shalt  }
0x71: {  	_ =	shalt  }
0x72: {  	_ =	shalt  }
0x73: {  	_ =	shalt  }
0x74: {  	_ =	shalt  }
0x75: {  	_ =	shalt  }
0x76: {  	_ =	shalt  }
0x77: {  	_ =	shalt  }
0x78: {  	_ =	shalt  }
0x79: {  	_ =	shalt  }
0x7a: {  	_ =	shalt  }
0x7b: {  	_ =	shalt  }
0x7c: {  	_ =	shalt  }
0x7d: {  	_ =	shalt  }
0x7e: {  	_ =	shalt  }
0x7f: {  	_ =	shalt  }
0x80: {  	_ =	shalt  }
0x81: {  	_ =	shalt  }
0x82: {  	_ =	shalt  }
0x83: {  	_ =	shalt  }
0x84: {  	_ =	shalt  }
0x85: {  	_ =	shalt  }
0x86: {  	_ =	shalt  }
0x87: {  	_ =	shalt  }
.Lfunc_end0:
.L_simem_size_0:
called_computation.1_lowered:
.L_overlay_start_0:
0x88: {  	s2 =	sld [smem:$0x3FD9]  }
0x89: {  	s3 =	sld [smem:$0x3FFE];
	_ =	sdelay $0x1  }
0x8a: {  	s1 =	srdreg.scid  }
0x8b: {  	s0 =	sand.u32 $0x1, s1  }
0x8c: {  	s16 =	sshll.u32 s0, $0xA;
	s2 =	sadd.s32 s3, s2  }
0x8d: {  	s2 =	sadd.s32 s2, s16  }
0x8e: {  	[smem:$0x3FB3] =	sst s2  }
0x8f: {  	_ = 	snop  }
0x90: {  	(tm) =	ssettm $0x1  }
0x91: {  	s17 =	sld [smem:$0x3FFB];
	_ =	sdelay $0x3  }
0x92: {  	_ =	strace s17  }
0x93: {  	s2 =	sld [smem:$0x3FFC];
	_ =	sdelay $0x3  }
0x94: {  	_ =	strace s2  }
0x95: {  	s2 =	sld [smem:$0x3FFD];
	_ =	sdelay $0x3  }
0x96: {  	_ =	strace s2  }
0x97: {  	_ =	strace $0x8FFFFFFF  }
0x98: {  	s18 =	sld [smem:$0x3FDB];
	_ =	sdelay $0x1  }
0x99: {  	s19 =	simm.s32 $_scs_section_size  }
0x9a: {  	s4 =	simm.s32 $_size__tile_overlayer_lowered;
	s5 =	simm.s32 $_tile_overlayer_lowered  }
0x9b: {  	s22 =	simm.s32 $0x1BFF;
	s21 =	sshll.u32 s5, $0x1;
	s2 =	sadd.s32 s19, s18  }
0x9c: {  	s6 =	simm.s32 $0x0;
	s20 =	sshll.u32 s4, $0x1;
	s4 =	sadd.s32 s21, s2  }
0x9d: {  	[timem:s6], [sflag:s22] =	dma.local [hbm:s4], s20  }
0x9e: {  	_ =	swait.ge [sflag:s22], s20  }
0x9f: {  	s3 =	ssub.s32 $0x0, s20;
	[sflag:s22] =	ssyncset.done $0x0  }
0xa0: {  	[sflag:s22] =	ssyncadd.s32 s3;
	_ =	sdelay $0x1  }
0xa1: {  	s23 =	simm.s32 $0x1B8B  }
0xa2: {  	_ =	swait.ge [sflag:s23], $0x1  }
0xa3: {  	[sflag:s23] =	ssyncset.done $0x0  }
0xa4: {  	s25 =	simm.s32 $0x1B8E;
	s24 =	sld [smem:$0x3FFE];
	[sflag:s23] =	ssyncadd.s32 $0xFFFFFFFF  }
0xa5: {  	s26 =	simm.s32 $execute0_lowered;
	[smem:$0x3FD2] =	sst s25  }
0xa6: {  	s4 =	sshll.u32 s26, $0x1;
	_ =	strace $0x80000049;
	[dreg:$0x1] =	wrdreg $0xFFFFFFFF  }
0xa7: {  	s28 =	simm.s32 $_size_execute0_lowered;
	s2 =	sadd.s32 s2, s4;
	[dreg:$0x0] =	wrdreg $0x0  }
0xa8: {  	s4 =	sshll.u32 s28, $0x1;
	[dreg:$0x2] =	wrdreg s2  }
0xa9: {  	[dreg:$0x3] =	wrdreg s4  }
0xaa: {  	[dreg:$0x4] =	wrdreg $0xC0  }
0xab: {  	_ =	task [dreg:s6], $0x5FFFF  }
0xac: {  	[dreg:$0x1] =	wrdreg $0xFFFFFFFF  }
0xad: {  	[dreg:$0x0] =	wrdreg $0x60  }
0xae: {  	[dreg:$0x2] =	wrdreg s24  }
0xaf: {  	[dreg:$0x3] =	wrdreg $0x53200  }
0xb0: {  	[dreg:$0x4] =	wrdreg $0x7A300  }
0xb1: {  	[dreg:$0x5] =	wrdreg $0x9  }
0xb2: {  	_ =	task.clear_ibuf [dreg:s6], $0x6FFFF;
	_ =	strace $0x90000049  }
0xb3: {  	s29 =	simm.s32 $0x9;
	_ =	strace $0x8000004B  }
0xb4: {  	_ =	swait.ge [sflag:s29], $0x1  }
0xb5: {  	[sflag:s29] =	ssyncadd.s32 $0xFFFFFFFF  }
0xb6: {  	_ =	strace $0x9000004B  }
0xb7: {  	_ =	sfence  }
0xb8: {  	s30 =	sld [smem:$0x0];
	_ =	sdelay $0x2  }
0xb9: {  	s31 =	sshll.u32 s1, $0xD;
	s1 =	sshrl.u32 s1, $0x2  }
0xba: {  	s3 =	sand.u32 $0x4000, s31;
	s1 =	sadd.s32 s1, s30  }
0xbb: {  	s0 =	sor.u32 s3, s0;
	s1 =	sshll.u32 s1, $0x11  }
0xbc: {  	s0 =	sor.u32 s1, s0  }
0xbd: {  	s0 =	sadd.s32 $0x8F2B, s0  }
0xbe: {  	[sflag:s0] =	ssyncadd.remote.s32 $0x1  }
0xbf: {  	_ =	sfence.sel $0xFFFF  }
0xc0: {  	[dreg:$0x0] =	wrdreg $0xFFFFFFFF;
	(pc) =	sbr.abs _section_cstart, $3  }
0xc1: {  	[dreg:$0x1] =	wrdreg $0xFFFFFFFF  }
0xc2: {  	_ =	task.clear_ibuf [dreg:s6], $0x2FFFF;
	_ =	strace $0x9FFFFFFF  }
0xc3: {  	(tm) =	ssettm $0x7FFFFFFF  }
tec
execute0_lowered:
.L_overlay_start_1:
0x0: {  	(tag) =	ssettag $0x1  }
0x1: {  	s5 =	rddreg [dreg:$0x0];
	s1 =	srdreg.scid  }
0x2: {  	s0 =	stileid.u32;
	s2 =	rddreg [dreg:$0x1]  }
0x3: {  	s3 =	rddreg [dreg:$0x2];
	s4 =	simm.s32 $0x0;
	s12 =	simm.s32 $0x50  }
0x4: {  	s13 =	simm.s32 $0x2710;
	s6 =	sand.u32 $0x1, s1;
	s9 =	smul.u32 $0x2710, s0  }
0x5: {  	s29 =	sshll.u32 s0, $0x1;
	s1 =	rddreg [dreg:$0x3];
	s11 =	smul.u32 $0x9C40, s0  }
0x6: {  	[smem:$0x7FF] =	sst s4;
	s7 =	sor.u32 s6, s29;
	s8 =	smul.u32 $0x4E20, s6  }
0x7: {  	_ =	strace $0x8000004A;
	s6 =	ssub.s32 $0x2, s6;
	s7 =	smul.u32 $0x4E2, s7  }
0x8: {  	s30 =	sshrl.u32 s6, $0x1;
	s15 =	sshrl.u32 s9, $0x3;
	s8 =	sadd.s32 s8, s5  }
0x9: {  	s10 =	ssub.s32 s6, s30;
	s6 =	sadd.s32 s9, s3;
	s7 =	sadd.s32 s7, s5  }
0xa: {  	s5 =	sadd.s32 s9, s2;
	s14 =	sadd.s32 $0x5CB600, s8;
	s16 =	sadd.s32 $0x5C1800, s8  }
0xb: {  	s31 =	sadd.s32 s11, s8;
	s8 =	smax.u32 s10, $0x1;
	s10 =	simm.s32 $0x2C10  }
0xc: {  	s11 =	simm.s32 $0x1;
	s7 =	sadd.s32 $0x11000, s7;
	s9 =	sadd.s32 $0x42000, s31  }
0xd: {  	v0 =	vimm.f32 $1.000000000e+00;
	v1 =	vimm.f32 $0.0e+00;
	s14 =	sadd.s32 s15, s14;
	s15 =	sadd.s32 s15, s16;
	s16 =	simm.s32 $0x0  }
.LBB2_1:
0xe: {  	s17 =	simm.s32 $0x0  }
.LBB2_2:
0xf: {  	p0 =	sne.s32 s17, $0x13C0  }
.Ltmp0:
0x10: {  	_ = 	snop;
	(pc) =	sbr.rel @p0 .LBB2_2-.Ltmp0, $3  }
0x11: {  	_ =	sdelay $0x1  }
0x12: {  	s18 =	sshra.s32 s17, $0x2  }
0x13: {  	s17 =	sadd.s32 $0x40, s17;
	[tilespmem:s18+$0x2710] =	vst v0  }
0x14: {  	s17 =	simm.s32 $0x40;
	s18 =	simm.s32 $0x0  }
.LBB2_4:
0x15: {  	p0 =	sne.s32 s17, $0x9C00;
	[tilespmem:s18+$0x2C10] =	vst v1;
	s18 =	smov.u32 s17;
	s17 =	sadd.s32 $0x40, s17  }
.Ltmp1:
0x16: {  	(pc) =	sbr.rel @p0 .LBB2_4-.Ltmp1, $2  }
0x17: {  	_ =	sdelay $0x2  }
0x18: {  	s18 =	sshra.s32 s18, $0x2  }
0x19: {  	[tilespmem:s18+$0x2C10] =	vst v1  }
0x1a: {  	[spmem:s5] =	stream.linear.scatter [tilespmem:s10], [sflag:$0x1], $0x2710, $0x38;
	[tilespmem:$0xA140] =	vst v63  }
0x1b: {  	_ =	swait.ge [sflag:s11], $0x2710  }
0x1c: {  	[sflag:s11] =	ssyncset.done $0x0  }
0x1d: {  	[sflag:s11] =	ssyncadd.s32 $0xFFFFD8F0  }
0x1e: {  	[spmem:s6] =	stream.linear.scatter [tilespmem:s10], [sflag:$0x1], $0x2710, $0x38;
	[tilespmem:$0xA140] =	vst v63  }
0x1f: {  	_ =	swait.ge [sflag:s11], $0x2710  }
0x20: {  	[sflag:s11] =	ssyncset.done $0x0  }
0x21: {  	[sflag:s11] =	ssyncadd.s32 $0xFFFFD8F0  }
0x22: {  	s17 =	simm.s32 $0x0;
	[bflag:$0x0] =	sbarrier.arrive $0xFFFF  }
0x23: {  	[tilespmem:s17], [sflag:$0x1] =	stream.linear.gather [hbm4b:s7+s17], $0x2710, $0x38;
	[tilespmem:$0xA140] =	vst v63  }
0x24: {  	_ =	swait.ge [sflag:s11], $0x2710  }
0x25: {  	[sflag:s11] =	ssyncset.done $0x0  }
0x26: {  	s31 =	sadd.s32 $0x0, s9;
	[sflag:s11] =	ssyncadd.s32 $0xFFFFD8F0  }
0x27: {  	[tilespmem:s10], [sflag:$0x1] =	stream.linear.gather [hbm4b:s31+s4], $0x500, $0x38;
	[tilespmem:$0xA140] =	vst v63  }
0x28: {  	_ =	swait.ge [sflag:s11], $0x500  }
0x29: {  	[sflag:s11] =	ssyncset.done $0x0  }
0x2a: {  	[sflag:s11] =	ssyncadd.s32 $0xFFFFFB00  }
0x2b: {  	[spmem:s2] =	stream.indirect.scatter.add.f32 [tilespmem:s10], [sflag:$0x1], $0x10, s17, s12, $0xb8;
	[tilespmem:$0xA140] =	vst v63  }
0x2c: {  	_ =	swait.ge [sflag:s11], $0x500  }
0x2d: {  	[sflag:s11] =	ssyncset.done $0x0  }
0x2e: {  	[sflag:s11] =	ssyncadd.s32 $0xFFFFFB00  }
0x2f: {  	[spmem:s3] =	stream.indirect.scatter.add.f32 [tilespmem:s13], [sflag:$0x1], $0x10, s17, s12, $0xb8;
	[tilespmem:$0xA140] =	vst v63  }
0x30: {  	s18 =	simm.s32 $0xA0;
	_ =	swait.ge [sflag:s11], $0x500  }
0x31: {  	s19 =	simm.s32 $0x140;
	s17 =	simm.s32 $0x50;
	[sflag:s11] =	ssyncset.done $0x0  }
.LBB2_6:
0x32: {  	s20 =	sadd.s32 s18, s9  }
0x33: {  	[sflag:s11] =	ssyncadd.s32 $0xFFFFFB00;
	s18 =	smov.u32 s19;
	s21 =	sadd.s32 $0xA0, s19  }
0x34: {  	[tilespmem:s10], [sflag:$0x1] =	stream.linear.gather [hbm4b:s20+s4], $0x500, $0x38;
	[tilespmem:$0xA140] =	vst v63  }
0x35: {  	p0 =	sne.s32 s19, $0x4D80;
	_ =	swait.ge [sflag:s11], $0x500  }
0x36: {  	[sflag:s11] =	ssyncset.done $0x0  }
0x37: {  	[sflag:s11] =	ssyncadd.s32 $0xFFFFFB00  }
0x38: {  	[spmem:s2] =	stream.indirect.scatter.add.f32 [tilespmem:s10], [sflag:$0x1], $0x10, s17, s12, $0xb8;
	[tilespmem:$0xA140] =	vst v63  }
0x39: {  	_ =	swait.ge [sflag:s11], $0x500  }
.Ltmp2:
0x3a: {  	[sflag:s11] =	ssyncset.done $0x0;
	(pc) =	sbr.rel @p0 .LBB2_6-.Ltmp2, $4  }
0x3b: {  	[sflag:s11] =	ssyncadd.s32 $0xFFFFFB00  }
0x3c: {  	[spmem:s3] =	stream.indirect.scatter.add.f32 [tilespmem:s13], [sflag:$0x1], $0x10, s17, s12, $0xb8;
	[tilespmem:$0xA140] =	vst v63  }
0x3d: {  	_ =	swait.ge [sflag:s11], $0x500  }
0x3e: {  	s19 =	smov.u32 s21;
	s17 =	sadd.s32 $0x50, s17;
	[sflag:s11] =	ssyncset.done $0x0  }
0x3f: {  	s18 =	sadd.s32 s18, s9;
	[sflag:s11] =	ssyncadd.s32 $0xFFFFFB00  }
0x40: {  	[tilespmem:s10], [sflag:$0x1] =	stream.linear.gather [hbm4b:s18+s4], $0x500, $0x38;
	[tilespmem:$0xA140] =	vst v63  }
0x41: {  	_ =	swait.ge [sflag:s11], $0x500  }
0x42: {  	[sflag:s11] =	ssyncset.done $0x0  }
0x43: {  	[sflag:s11] =	ssyncadd.s32 $0xFFFFFB00  }
0x44: {  	[spmem:s2] =	stream.indirect.scatter.add.f32 [tilespmem:s10], [sflag:$0x1], $0x10, s17, s12, $0xb8;
	[tilespmem:$0xA140] =	vst v63  }
0x45: {  	_ =	swait.ge [sflag:s11], $0x500  }
0x46: {  	[sflag:s11] =	ssyncset.done $0x0  }
0x47: {  	[sflag:s11] =	ssyncadd.s32 $0xFFFFFB00  }
0x48: {  	[spmem:s3] =	stream.indirect.scatter.add.f32 [tilespmem:s13], [sflag:$0x1], $0x10, s17, s12, $0xb8;
	[tilespmem:$0xA140] =	vst v63  }
0x49: {  	_ =	swait.ge [sflag:s11], $0x500  }
0x4a: {  	[sflag:s11] =	ssyncset.done $0x0  }
0x4b: {  	[sflag:s11] =	ssyncadd.s32 $0xFFFFFB00  }
0x4c: {  	[bflag:$0x0] =	sbarrier.arrive $0xFFFF  }
0x4d: {  	[tilespmem:s10], [sflag:$0x1] =	stream.linear.gather [spmem:s5], $0x2710, $0x38;
	[tilespmem:$0xA140] =	vst v63  }
0x4e: {  	_ =	swait.ge [sflag:s11], $0x2710  }
0x4f: {  	[sflag:s11] =	ssyncset.done $0x0  }
0x50: {  	[sflag:s11] =	ssyncadd.s32 $0xFFFFD8F0  }
0x51: {  	[hbm4b:s14+s4] =	stream.linear.scatter [tilespmem:s10], [sflag:$0x1], $0x2710, $0x38;
	[tilespmem:$0xA140] =	vst v63  }
0x52: {  	_ =	swait.ge [sflag:s11], $0x2710  }
0x53: {  	[sflag:s11] =	ssyncset.done $0x0  }
0x54: {  	[sflag:s11] =	ssyncadd.s32 $0xFFFFD8F0  }
0x55: {  	[tilespmem:s10], [sflag:$0x1] =	stream.linear.gather [spmem:s6], $0x2710, $0x38;
	[tilespmem:$0xA140] =	vst v63  }
0x56: {  	s16 =	sadd.s32 $0x1, s16;
	_ =	swait.ge [sflag:s11], $0x2710  }
0x57: {  	p0 =	sne.s32 s16, s8;
	[sflag:s11] =	ssyncset.done $0x0  }
.Ltmp3:
0x58: {  	[sflag:s11] =	ssyncadd.s32 $0xFFFFD8F0;
	(pc) =	sbr.rel @p0 .LBB2_1-.Ltmp3, $4  }
0x59: {  	[hbm4b:s15+s4] =	stream.linear.scatter [tilespmem:s10], [sflag:$0x1], $0x2710, $0x38;
	[tilespmem:$0xA140] =	vst v63  }
0x5a: {  	_ =	swait.ge [sflag:s11], $0x2710  }
0x5b: {  	[sflag:s11] =	ssyncset.done $0x0  }
0x5c: {  	[sflag:s11] =	ssyncadd.s32 $0xFFFFD8F0  }
0x5d: {  	_ =	sfence.sel $0x180000  }
0x5e: {  	[bflag:$0x0] =	sbarrier.arrive $0xFFFF  }
0x5f: {  	p0 =	sne.s32 s0, $0x0;
	_ =	strace $0x9000004A  }
0x60: {  	s0 =	sadd.s32 @!p0 $0x100000, s1;
	[bflag:$0x2] =	sbarrier.arrive $0xFFFF  }
0x61: {  	[sflag:s0] =	ssyncadd.tile.s32 @!p0 $0x1;
	_ =	shalt  }
.Lfunc_end2:
_tile_overlayer_lowered:
.L_overlay_start_2:
0x62: {  	(tag) =	ssettag $0x2  }
0x63: {  	s0 =	rddreg [dreg:$0x0];
	s2 =	stileid.u32  }
0x64: {  	s1 =	rddreg [dreg:$0x1];
	p0 =	sne.s32 s2, $0x0  }
0x65: {  	s3 =	rddreg [dreg:$0x2];
	[bflag:$0x3] =	sbarrier.arrive $0xFFFF;
	s2 =	simm.s32 @!p0 $0x1C01  }
0x66: {  	[timem:s3], [sflag:s2] =	dma.local @!p0 [hbm:s0], s1  }
0x67: {  	s0 =	simm.s32 @!p0 $0x1  }
0x68: {  	_ =	swait.ge @!p0 [sflag:s0], s1  }
0x69: {  	s1 =	ssub.s32 @!p0 $0x0, s1;
	[sflag:s0] =	ssyncset.done @!p0 $0x0  }
0x6a: {  	[sflag:s0] =	ssyncadd.s32 @!p0 s1  }
0x6b: {  	[bflag:$0x3] =	sbarrier.arrive $0xFFFF  }
0x6c: {  	_ =	shalt  }

// kernel: kernel.17.cloned.1.call-start
scs
__scs_entry_jumppad:
0x0: {  	(pc) =	sbr.rel $0x88, $3  }
0x1: {  	(tag) =	ssettag $0x0;
	lr =	simm.s32 $0x1  }
0x2: {  	[smem:$0x3F8C] =	sst lr;
	_ =	strace $0xD0000000  }
0x3: {  	_ = 	snop  }
0x4: {  	_ = 	snop  }
0x5: {  	_ = 	snop  }
0x6: {  	_ = 	snop  }
0x7: {  	_ = 	snop  }
__scs_overlays_trampoline_lowered:
0x8: {  	[smem:$0x3F9B] =	sst s0  }
0x9: {  	[smem:$0x3F9C] =	sst s1  }
0xa: {  	[smem:$0x3F9D] =	sst s2  }
0xb: {  	[smem:$0x3F9E] =	sst s3  }
0xc: {  	[smem:$0x3F9F] =	sst s4  }
0xd: {  	[smem:$0x3FA0] =	sst s5  }
0xe: {  	[smem:$0x3FA1] =	sst s6  }
0xf: {  	[smem:$0x3FA2] =	sst s7  }
0x10: {  	[smem:$0x3FA3] =	sst s8  }
0x11: {  	[smem:$0x3FA4] =	sst s9;
	s0 =	simm.s32 @!p0 $0x0  }
0x12: {  	s1 =	sld [smem:$0x3F8A];
	s0 =	simm.s32 @p0 $0x1  }
0x13: {  	[smem:$0x3FA5] =	sst s0;
	s0 =	simm.s32 @!p1 $0x0  }
0x14: {  	s2 =	sld [smem:$0x3F89];
	s0 =	simm.s32 @p1 $0x1  }
0x15: {  	[smem:$0x3FA6] =	sst s0;
	s0 =	simm.s32 @!p2 $0x0  }
0x16: {  	s3 =	sld [smem:$0x3FDB];
	s0 =	simm.s32 @p2 $0x1  }
0x17: {  	s4 =	simm.s32 $0x1BF5;
	[smem:$0x3FA8] =	sst s0  }
0x18: {  	s0 =	sld [smem:$0x3F8B];
	_ =	swait.ge [sflag:s4], $0x0  }
0x19: {  	s7 =	sld [smem:$0x3F8C]  }
0x1a: {  	s8 =	sadd.s32 $0xFFFFE003, lr  }
0x1b: {  	s9 =	sadd.s32 $0xFFFFFEF7, lr;
	s5 =	simm.s32 $0xFFFFFFFF;
	p2 =	slt.u32 s8, $0xFFFFF086  }
0x1c: {  	p1 =	slt.u32 s9, $0xF7A;
	s5 =	simm.s32 @!p2 $0x0  }
0x1d: {  	s5 =	simm.s32 @p1 $0x1;
	p0 =	seq.s32 s7, s2  }
0x1e: {  	s7 =	smul.u32 @!p0 $0xF7A, s2;
	p2 =	seq.s32 @!p0 s5, $0x0  }
0x1f: {  	s9 =	smul.u32 $0xF7A, s1;
	s8 =	simm.s32 @!p0 $0x1BF5;
	p2 =	por !p2, p0  }
0x20: {  	[sflag:s8] =	ssyncset.s32 @!p0 $0xFFFFF086;
	s6 =	sadd.s32 @!p0 s3, s7;
	s7 =	simm.s32 @!p0 $0x108  }
0x21: {  	s3 =	sadd.s32 s3, s9;
	s6 =	sadd.s32 @!p0 $0x88, s6;
	s7 =	simm.s32 @p2 $0x1082  }
0x22: {  	[simem:s7], [sflag:s8] =	dma.local @!p0 [hbm:s6], $0xF7A  }
0x23: {  	s9 =	sor.u32 $0xD0000000, s2;
	s6 =	simm.s32 $0x108;
	_ =	swait.ge @!p0 [sflag:s8], $0x0  }
0x24: {  	s3 =	sadd.s32 $0x88, s3;
	s6 =	simm.s32 @!p1 $0x1082;
	[sflag:s4] =	ssyncset.s32 $0xFFFFF086  }
0x25: {  	[simem:s6], [sflag:s4] =	dma.local [hbm:s3], $0xF7A  }
0x26: {  	[smem:$0x3F8C] =	sst s1;
	(tag) =	ssettag s2;
	_ =	strace s9  }
0x27: {  	s1 =	sld [smem:$0x3F9C]  }
0x28: {  	s2 =	sld [smem:$0x3F9D]  }
0x29: {  	s4 =	sld [smem:$0x3F9F]  }
0x2a: {  	p0 =	seq.s32 s5, $0x0;
	s5 =	sld [smem:$0x3FA0]  }
0x2b: {  	s6 =	sld [smem:$0x3FA1]  }
0x2c: {  	s7 =	sld [smem:$0x3FA2]  }
0x2d: {  	s3 =	simm.s32 $0x108;
	s8 =	sld [smem:$0x3FA3]  }
0x2e: {  	s3 =	simm.s32 @!p0 $0x1082;
	s9 =	sld [smem:$0x3FA4]  }
0x2f: {  	lr =	sadd.s32 s0, s3;
	s0 =	sld [smem:$0x3F9B]  }
0x30: {  	s3 =	sld [smem:$0x3F9E]  }
0x31: {  	[smem:$0x3FA7] =	sst s10  }
0x32: {  	s10 =	sld [smem:$0x3FA5];
	_ =	sdelay $0x3  }
0x33: {  	p0 =	seq.s32 s10, $0x1;
	s10 =	sld [smem:$0x3FA7];
	_ =	sdelay $0x3  }
0x34: {  	[smem:$0x3FA7] =	sst s10  }
0x35: {  	s10 =	sld [smem:$0x3FA6];
	_ =	sdelay $0x3  }
0x36: {  	p1 =	seq.s32 s10, $0x1;
	s10 =	sld [smem:$0x3FA7];
	_ =	sdelay $0x3  }
0x37: {  	[smem:$0x3FA7] =	sst s10  }
0x38: {  	s10 =	sld [smem:$0x3FA8]  }
0x39: {  	_ = 	snop;
	(pc) =	sbr.ind lr, $3  }
0x3a: {  	_ = 	snop  }
0x3b: {  	_ = 	snop  }
0x3c: {  	p2 =	seq.s32 s10, $0x1;
	s10 =	sld [smem:$0x3FA7]  }
0x3d: {  	_ =	shalt  }
0x3e: {  	_ =	shalt  }
0x3f: {  	_ =	shalt  }
0x40: {  	_ =	shalt  }
0x41: {  	_ =	shalt  }
0x42: {  	_ =	shalt  }
0x43: {  	_ =	shalt  }
0x44: {  	_ =	shalt  }
0x45: {  	_ =	shalt  }
0x46: {  	_ =	shalt  }
0x47: {  	_ =	shalt  }
0x48: {  	_ =	shalt  }
0x49: {  	_ =	shalt  }
0x4a: {  	_ =	shalt  }
0x4b: {  	_ =	shalt  }
0x4c: {  	_ =	shalt  }
0x4d: {  	_ =	shalt  }
0x4e: {  	_ =	shalt  }
0x4f: {  	_ =	shalt  }
0x50: {  	_ =	shalt  }
0x51: {  	_ =	shalt  }
0x52: {  	_ =	shalt  }
0x53: {  	_ =	shalt  }
0x54: {  	_ =	shalt  }
0x55: {  	_ =	shalt  }
0x56: {  	_ =	shalt  }
0x57: {  	_ =	shalt  }
0x58: {  	_ =	shalt  }
0x59: {  	_ =	shalt  }
0x5a: {  	_ =	shalt  }
0x5b: {  	_ =	shalt  }
0x5c: {  	_ =	shalt  }
0x5d: {  	_ =	shalt  }
0x5e: {  	_ =	shalt  }
0x5f: {  	_ =	shalt  }
0x60: {  	_ =	shalt  }
0x61: {  	_ =	shalt  }
0x62: {  	_ =	shalt  }
0x63: {  	_ =	shalt  }
0x64: {  	_ =	shalt  }
0x65: {  	_ =	shalt  }
0x66: {  	_ =	shalt  }
0x67: {  	_ =	shalt  }
0x68: {  	_ =	shalt  }
0x69: {  	_ =	shalt  }
0x6a: {  	_ =	shalt  }
0x6b: {  	_ =	shalt  }
0x6c: {  	_ =	shalt  }
0x6d: {  	_ =	shalt  }
0x6e: {  	_ =	shalt  }
0x6f: {  	_ =	shalt  }
0x70: {  	_ =	shalt  }
0x71: {  	_ =	shalt  }
0x72: {  	_ =	shalt  }
0x73: {  	_ =	shalt  }
0x74: {  	_ =	shalt  }
0x75: {  	_ =	shalt  }
0x76: {  	_ =	shalt  }
0x77: {  	_ =	shalt  }
0x78: {  	_ =	shalt  }
0x79: {  	_ =	shalt  }
0x7a: {  	_ =	shalt  }
0x7b: {  	_ =	shalt  }
0x7c: {  	_ =	shalt  }
0x7d: {  	_ =	shalt  }
0x7e: {  	_ =	shalt  }
0x7f: {  	_ =	shalt  }
0x80: {  	_ =	shalt  }
0x81: {  	_ =	shalt  }
0x82: {  	_ =	shalt  }
0x83: {  	_ =	shalt  }
0x84: {  	_ =	shalt  }
0x85: {  	_ =	shalt  }
0x86: {  	_ =	shalt  }
0x87: {  	_ =	shalt  }
.Lfunc_end0:
.L_simem_size_0:
called_computation.2_lowered:
.L_overlay_start_0:
0x88: {  	s2 =	sld [smem:$0x3FD9]  }
0x89: {  	s3 =	sld [smem:$0x3FFE];
	_ =	sdelay $0x1  }
0x8a: {  	s1 =	srdreg.scid  }
0x8b: {  	s0 =	sand.u32 $0x1, s1  }
0x8c: {  	s17 =	sshll.u32 s0, $0xA;
	s2 =	sadd.s32 s3, s2  }
0x8d: {  	s2 =	sadd.s32 s2, s17  }
0x8e: {  	[smem:$0x3FB3] =	sst s2  }
0x8f: {  	_ = 	snop  }
0x90: {  	s2 =	sld [smem:$0x3FD0];
	(tm) =	ssettm $0x1  }
0x91: {  	s18 =	sld [smem:$0x3FFB];
	_ =	sdelay $0x3  }
0x92: {  	_ =	strace s18  }
0x93: {  	s3 =	sld [smem:$0x3FFC];
	_ =	sdelay $0x3  }
0x94: {  	_ =	strace s3  }
0x95: {  	s3 =	sld [smem:$0x3FFD];
	_ =	sdelay $0x3  }
0x96: {  	_ =	strace s3  }
0x97: {  	_ =	strace $0x8FFFFFFF  }
0x98: {  	s19 =	sld [smem:$0x3FDB];
	_ =	sdelay $0x1  }
0x99: {  	s4 =	simm.s32 $_scs_section_size  }
0x9a: {  	s5 =	simm.s32 $_size__tile_overlayer_lowered;
	s6 =	simm.s32 $_tile_overlayer_lowered  }
0x9b: {  	s22 =	simm.s32 $0x1BFF;
	s21 =	sshll.u32 s6, $0x1;
	s3 =	sadd.s32 s4, s19  }
0x9c: {  	s7 =	simm.s32 $0x0;
	s20 =	sshll.u32 s5, $0x1;
	s5 =	sadd.s32 s21, s3  }
0x9d: {  	[timem:s7], [sflag:s22] =	dma.local [hbm:s5], s20  }
0x9e: {  	_ =	swait.ge [sflag:s22], s20  }
0x9f: {  	s4 =	ssub.s32 $0x0, s20;
	[sflag:s22] =	ssyncset.done $0x0  }
0xa0: {  	[sflag:s22] =	ssyncadd.s32 s4;
	_ =	sdelay $0x1  }
0xa1: {  	s23 =	simm.s32 $0x1B8B  }
0xa2: {  	_ =	swait.ge [sflag:s23], $0x1  }
0xa3: {  	[sflag:s23] =	ssyncset.done $0x0  }
0xa4: {  	s25 =	simm.s32 $0x1B8E;
	s24 =	sld [smem:$0x3FFE];
	[sflag:s23] =	ssyncadd.s32 $0xFFFFFFFF  }
0xa5: {  	s26 =	simm.s32 $execute0_lowered;
	[smem:$0x3FD2] =	sst s25  }
0xa6: {  	s5 =	sshll.u32 s26, $0x1;
	_ =	strace $0x8000004C;
	[dreg:$0x1] =	wrdreg $0xFFFFFFFF  }
0xa7: {  	s28 =	simm.s32 $_size_execute0_lowered;
	s3 =	sadd.s32 s3, s5;
	[dreg:$0x0] =	wrdreg $0x0  }
0xa8: {  	s5 =	sshll.u32 s28, $0x1;
	[dreg:$0x2] =	wrdreg s3  }
0xa9: {  	[dreg:$0x3] =	wrdreg s5  }
0xaa: {  	[dreg:$0x4] =	wrdreg $0xC0  }
0xab: {  	_ =	task [dreg:s7], $0x5FFFF  }
0xac: {  	[dreg:$0x1] =	wrdreg $0xFFFFFFFF  }
0xad: {  	[dreg:$0x0] =	wrdreg $0x60  }
0xae: {  	[dreg:$0x2] =	wrdreg s2  }
0xaf: {  	[dreg:$0x3] =	wrdreg s24  }
0xb0: {  	[dreg:$0x4] =	wrdreg $0x9  }
0xb1: {  	_ =	task.clear_ibuf [dreg:s7], $0x5FFFF;
	_ =	strace $0x9000004C  }
0xb2: {  	s29 =	simm.s32 $0x9;
	_ =	strace $0x8000004E  }
0xb3: {  	_ =	swait.ge [sflag:s29], $0x1  }
0xb4: {  	[sflag:s29] =	ssyncadd.s32 $0xFFFFFFFF  }
0xb5: {  	_ =	strace $0x9000004E  }
0xb6: {  	_ =	sfence  }
0xb7: {  	s30 =	sld [smem:$0x0];
	_ =	sdelay $0x2  }
0xb8: {  	s31 =	sshll.u32 s1, $0xD;
	s1 =	sshrl.u32 s1, $0x2  }
0xb9: {  	s3 =	sand.u32 $0x4000, s31;
	s1 =	sadd.s32 s1, s30  }
0xba: {  	s0 =	sor.u32 s3, s0;
	s1 =	sshll.u32 s1, $0x11  }
0xbb: {  	s0 =	sor.u32 s1, s0  }
0xbc: {  	s0 =	sadd.s32 $0x8F2B, s0  }
0xbd: {  	[sflag:s0] =	ssyncadd.remote.s32 $0x1  }
0xbe: {  	_ =	sfence.sel $0xFFFF  }
0xbf: {  	[dreg:$0x0] =	wrdreg $0xFFFFFFFF;
	(pc) =	sbr.abs _section_cstart, $3  }
0xc0: {  	[dreg:$0x1] =	wrdreg $0xFFFFFFFF  }
0xc1: {  	_ =	task.clear_ibuf [dreg:s7], $0x2FFFF;
	_ =	strace $0x9FFFFFFF  }
0xc2: {  	(tm) =	ssettm $0x7FFFFFFF  }
0xc3: {  	_ =	shalt  }
tec
execute0_lowered:
.L_overlay_start_1:
0x0: {  	(tag) =	ssettag $0x1  }
0x1: {  	s1 =	srdreg.scid;
	s2 =	rddreg [dreg:$0x0]  }
0x2: {  	s0 =	stileid.u32;
	s5 =	rddreg [dreg:$0x1]  }
0x3: {  	s3 =	simm.s32 $0x0;
	s11 =	simm.s32 $0x0;
	s4 =	sand.u32 $0x1, s1  }
0x4: {  	s28 =	sshll.u32 s0, $0x1;
	s1 =	rddreg [dreg:$0x2];
	s7 =	smul.u32 $0x9C40, s0  }
0x5: {  	[smem:$0x7FF] =	sst s3;
	s6 =	sor.u32 s4, s28;
	s10 =	smul.u32 $0x4E20, s4  }
0x6: {  	s8 =	ssub.s32 $0x2, s4;
	_ =	strace $0x8000004D;
	s6 =	smul.u32 $0x4E2, s6  }
0x7: {  	s9 =	sshrl.u32 s8, $0x1;
	s30 =	sadd.s32 s7, s5;
	s7 =	simm.s32 $0x2  }
0x8: {  	s31 =	ssub.s32 s8, s9;
	s8 =	simm.s32 $0x50;
	s9 =	simm.s32 $0x2710  }
0x9: {  	s29 =	sadd.s32 s6, s5;
	s5 =	smax.u32 s31, $0x1;
	s6 =	sadd.s32 s10, s30  }
0xa: {  	s10 =	simm.s32 $0x1;
	s4 =	sadd.s32 $0x7200, s29;
	s6 =	sadd.s32 $0x42000, s6  }
.LBB2_1:
0xb: {  	[tilespmem:s3], [sflag:$0x2] =	stream.linear.gather [hbm4b:s4+s3], $0x2710, $0x38;
	[tilespmem:$0x2C10] =	vst v63  }
0xc: {  	_ =	swait.ge [sflag:s7], $0x2710  }
0xd: {  	[sflag:s7] =	ssyncset.done $0x0  }
0xe: {  	[sflag:s7] =	ssyncadd.s32 $0xFFFFD8F0  }
0xf: {  	[tilespmem:s9], [sflag:$0x1] =	stream.indirect.gather [hbm4b:s2+s8], $0x10, s3, s8, $0xb8;
	[tilespmem:$0x2C10] =	vst v63  }
0x10: {  	_ =	swait.ge [sflag:s10], $0x500  }
0x11: {  	[sflag:s10] =	ssyncset.done $0x0  }
0x12: {  	s12 =	sadd.s32 $0x0, s6;
	[sflag:s10] =	ssyncadd.s32 $0xFFFFFB00  }
0x13: {  	[hbm4b:s12+s3] =	stream.linear.scatter [tilespmem:s9], [sflag:$0x2], $0x500, $0x38;
	[tilespmem:$0x2C10] =	vst v63  }
0x14: {  	_ =	swait.ge [sflag:s7], $0x500  }
0x15: {  	s13 =	simm.s32 $0x0;
	s12 =	simm.s32 $0xA0;
	[sflag:s7] =	ssyncset.done $0x0  }
.LBB2_2:
0x16: {  	p0 =	sne.s32 s12, $0x4D80;
	[sflag:s7] =	ssyncadd.s32 $0xFFFFFB00;
	s13 =	sadd.s32 $0x50, s13  }
0x17: {  	[tilespmem:s9], [sflag:$0x1] =	stream.indirect.gather [hbm4b:s2+s8], $0x10, s13, s8, $0xb8;
	[tilespmem:$0x2C10] =	vst v63  }
0x18: {  	s14 =	smov.u32 s12;
	s12 =	sadd.s32 $0xA0, s12;
	_ =	swait.ge [sflag:s10], $0x500  }
.Ltmp0:
0x19: {  	[sflag:s10] =	ssyncset.done $0x0;
	(pc) =	sbr.rel @p0 .LBB2_2-.Ltmp0, $4  }
0x1a: {  	s14 =	sadd.s32 s14, s6;
	[sflag:s10] =	ssyncadd.s32 $0xFFFFFB00  }
0x1b: {  	[hbm4b:s14+s3] =	stream.linear.scatter [tilespmem:s9], [sflag:$0x2], $0x500, $0x38;
	[tilespmem:$0x2C10] =	vst v63  }
0x1c: {  	_ =	swait.ge [sflag:s7], $0x500  }
0x1d: {  	[sflag:s7] =	ssyncset.done $0x0  }
0x1e: {  	s11 =	sadd.s32 $0x1, s11  }
0x1f: {  	p0 =	sne.s32 s11, s5  }
.Ltmp1:
0x20: {  	_ = 	snop;
	(pc) =	sbr.rel @p0 .LBB2_1-.Ltmp1, $2  }
0x21: {  	_ =	sdelay $0x2  }
0x22: {  	[sflag:s7] =	ssyncadd.s32 $0xFFFFFB00  }
0x23: {  	_ =	sfence.sel $0x180000  }
0x24: {  	[bflag:$0x0] =	sbarrier.arrive $0xFFFF  }
0x25: {  	p0 =	sne.s32 s0, $0x0;
	_ =	strace $0x9000004D  }
0x26: {  	s0 =	sadd.s32 @!p0 $0x100000, s1;
	[bflag:$0x2] =	sbarrier.arrive $0xFFFF  }
0x27: {  	[sflag:s0] =	ssyncadd.tile.s32 @!p0 $0x1;
	_ =	shalt  }
.Lfunc_end2:
_tile_overlayer_lowered:
.L_overlay_start_2:
0x28: {  	(tag) =	ssettag $0x2  }
0x29: {  	s0 =	rddreg [dreg:$0x0];
	s2 =	stileid.u32  }
0x2a: {  	s1 =	rddreg [dreg:$0x1];
	p0 =	sne.s32 s2, $0x0  }
0x2b: {  	s3 =	rddreg [dreg:$0x2];
	[bflag:$0x3] =	sbarrier.arrive $0xFFFF;
	s2 =	simm.s32 @!p0 $0x1C02  }
0x2c: {  	[timem:s3], [sflag:s2] =	dma.local @!p0 [hbm:s0], s1  }
0x2d: {  	s0 =	simm.s32 @!p0 $0x2  }
0x2e: {  	_ =	swait.ge @!p0 [sflag:s0], s1  }
0x2f: {  	s1 =	ssub.s32 @!p0 $0x0, s1;
	[sflag:s0] =	ssyncset.done @!p0 $0x0  }
0x30: {  	[sflag:s0] =	ssyncadd.s32 @!p0 s1  }
0x31: {  	[bflag:$0x3] =	sbarrier.arrive $0xFFFF  }
0x32: {  	_ =	shalt  }

// kernel: kernel.20.cloned.1.call-start
scs
__scs_entry_jumppad:
0x0: {  	(pc) =	sbr.rel $0x88, $3  }
0x1: {  	(tag) =	ssettag $0x0;
	lr =	simm.s32 $0x1  }
0x2: {  	[smem:$0x3F8C] =	sst lr;
	_ =	strace $0xD0000000  }
0x3: {  	_ = 	snop  }
0x4: {  	_ = 	snop  }
0x5: {  	_ = 	snop  }
0x6: {  	_ = 	snop  }
0x7: {  	_ = 	snop  }
__scs_overlays_trampoline_lowered:
0x8: {  	[smem:$0x3F9B] =	sst s0  }
0x9: {  	[smem:$0x3F9C] =	sst s1  }
0xa: {  	[smem:$0x3F9D] =	sst s2  }
0xb: {  	[smem:$0x3F9E] =	sst s3  }
0xc: {  	[smem:$0x3F9F] =	sst s4  }
0xd: {  	[smem:$0x3FA0] =	sst s5  }
0xe: {  	[smem:$0x3FA1] =	sst s6  }
0xf: {  	[smem:$0x3FA2] =	sst s7  }
0x10: {  	[smem:$0x3FA3] =	sst s8  }
0x11: {  	[smem:$0x3FA4] =	sst s9;
	s0 =	simm.s32 @!p0 $0x0  }
0x12: {  	s1 =	sld [smem:$0x3F8A];
	s0 =	simm.s32 @p0 $0x1  }
0x13: {  	[smem:$0x3FA5] =	sst s0;
	s0 =	simm.s32 @!p1 $0x0  }
0x14: {  	s2 =	sld [smem:$0x3F89];
	s0 =	simm.s32 @p1 $0x1  }
0x15: {  	[smem:$0x3FA6] =	sst s0;
	s0 =	simm.s32 @!p2 $0x0  }
0x16: {  	s3 =	sld [smem:$0x3FDB];
	s0 =	simm.s32 @p2 $0x1  }
0x17: {  	s4 =	simm.s32 $0x1BF5;
	[smem:$0x3FA8] =	sst s0  }
0x18: {  	s0 =	sld [smem:$0x3F8B];
	_ =	swait.ge [sflag:s4], $0x0  }
0x19: {  	s7 =	sld [smem:$0x3F8C]  }
0x1a: {  	s8 =	sadd.s32 $0xFFFFE003, lr  }
0x1b: {  	s9 =	sadd.s32 $0xFFFFFEF7, lr;
	s5 =	simm.s32 $0xFFFFFFFF;
	p2 =	slt.u32 s8, $0xFFFFF086  }
0x1c: {  	p1 =	slt.u32 s9, $0xF7A;
	s5 =	simm.s32 @!p2 $0x0  }
0x1d: {  	s5 =	simm.s32 @p1 $0x1;
	p0 =	seq.s32 s7, s2  }
0x1e: {  	s7 =	smul.u32 @!p0 $0xF7A, s2;
	p2 =	seq.s32 @!p0 s5, $0x0  }
0x1f: {  	s9 =	smul.u32 $0xF7A, s1;
	s8 =	simm.s32 @!p0 $0x1BF5;
	p2 =	por !p2, p0  }
0x20: {  	[sflag:s8] =	ssyncset.s32 @!p0 $0xFFFFF086;
	s6 =	sadd.s32 @!p0 s3, s7;
	s7 =	simm.s32 @!p0 $0x108  }
0x21: {  	s3 =	sadd.s32 s3, s9;
	s6 =	sadd.s32 @!p0 $0x88, s6;
	s7 =	simm.s32 @p2 $0x1082  }
0x22: {  	[simem:s7], [sflag:s8] =	dma.local @!p0 [hbm:s6], $0xF7A  }
0x23: {  	s9 =	sor.u32 $0xD0000000, s2;
	s6 =	simm.s32 $0x108;
	_ =	swait.ge @!p0 [sflag:s8], $0x0  }
0x24: {  	s3 =	sadd.s32 $0x88, s3;
	s6 =	simm.s32 @!p1 $0x1082;
	[sflag:s4] =	ssyncset.s32 $0xFFFFF086  }
0x25: {  	[simem:s6], [sflag:s4] =	dma.local [hbm:s3], $0xF7A  }
0x26: {  	[smem:$0x3F8C] =	sst s1;
	(tag) =	ssettag s2;
	_ =	strace s9  }
0x27: {  	s1 =	sld [smem:$0x3F9C]  }
0x28: {  	s2 =	sld [smem:$0x3F9D]  }
0x29: {  	s4 =	sld [smem:$0x3F9F]  }
0x2a: {  	p0 =	seq.s32 s5, $0x0;
	s5 =	sld [smem:$0x3FA0]  }
0x2b: {  	s6 =	sld [smem:$0x3FA1]  }
0x2c: {  	s7 =	sld [smem:$0x3FA2]  }
0x2d: {  	s3 =	simm.s32 $0x108;
	s8 =	sld [smem:$0x3FA3]  }
0x2e: {  	s3 =	simm.s32 @!p0 $0x1082;
	s9 =	sld [smem:$0x3FA4]  }
0x2f: {  	lr =	sadd.s32 s0, s3;
	s0 =	sld [smem:$0x3F9B]  }
0x30: {  	s3 =	sld [smem:$0x3F9E]  }
0x31: {  	[smem:$0x3FA7] =	sst s10  }
0x32: {  	s10 =	sld [smem:$0x3FA5];
	_ =	sdelay $0x3  }
0x33: {  	p0 =	seq.s32 s10, $0x1;
	s10 =	sld [smem:$0x3FA7];
	_ =	sdelay $0x3  }
0x34: {  	[smem:$0x3FA7] =	sst s10  }
0x35: {  	s10 =	sld [smem:$0x3FA6];
	_ =	sdelay $0x3  }
0x36: {  	p1 =	seq.s32 s10, $0x1;
	s10 =	sld [smem:$0x3FA7];
	_ =	sdelay $0x3  }
0x37: {  	[smem:$0x3FA7] =	sst s10  }
0x38: {  	s10 =	sld [smem:$0x3FA8]  }
0x39: {  	_ = 	snop;
	(pc) =	sbr.ind lr, $3  }
0x3a: {  	_ = 	snop  }
0x3b: {  	_ = 	snop  }
0x3c: {  	p2 =	seq.s32 s10, $0x1;
	s10 =	sld [smem:$0x3FA7]  }
0x3d: {  	_ =	shalt  }
0x3e: {  	_ =	shalt  }
0x3f: {  	_ =	shalt  }
0x40: {  	_ =	shalt  }
0x41: {  	_ =	shalt  }
0x42: {  	_ =	shalt  }
0x43: {  	_ =	shalt  }
0x44: {  	_ =	shalt  }
0x45: {  	_ =	shalt  }
0x46: {  	_ =	shalt  }
0x47: {  	_ =	shalt  }
0x48: {  	_ =	shalt  }
0x49: {  	_ =	shalt  }
0x4a: {  	_ =	shalt  }
0x4b: {  	_ =	shalt  }
0x4c: {  	_ =	shalt  }
0x4d: {  	_ =	shalt  }
0x4e: {  	_ =	shalt  }
0x4f: {  	_ =	shalt  }
0x50: {  	_ =	shalt  }
0x51: {  	_ =	shalt  }
0x52: {  	_ =	shalt  }
0x53: {  	_ =	shalt  }
0x54: {  	_ =	shalt  }
0x55: {  	_ =	shalt  }
0x56: {  	_ =	shalt  }
0x57: {  	_ =	shalt  }
0x58: {  	_ =	shalt  }
0x59: {  	_ =	shalt  }
0x5a: {  	_ =	shalt  }
0x5b: {  	_ =	shalt  }
0x5c: {  	_ =	shalt  }
0x5d: {  	_ =	shalt  }
0x5e: {  	_ =	shalt  }
0x5f: {  	_ =	shalt  }
0x60: {  	_ =	shalt  }
0x61: {  	_ =	shalt  }
0x62: {  	_ =	shalt  }
0x63: {  	_ =	shalt  }
0x64: {  	_ =	shalt  }
0x65: {  	_ =	shalt  }
0x66: {  	_ =	shalt  }
0x67: {  	_ =	shalt  }
0x68: {  	_ =	shalt  }
0x69: {  	_ =	shalt  }
0x6a: {  	_ =	shalt  }
0x6b: {  	_ =	shalt  }
0x6c: {  	_ =	shalt  }
0x6d: {  	_ =	shalt  }
0x6e: {  	_ =	shalt  }
0x6f: {  	_ =	shalt  }
0x70: {  	_ =	shalt  }
0x71: {  	_ =	shalt  }
0x72: {  	_ =	shalt  }
0x73: {  	_ =	shalt  }
0x74: {  	_ =	shalt  }
0x75: {  	_ =	shalt  }
0x76: {  	_ =	shalt  }
0x77: {  	_ =	shalt  }
0x78: {  	_ =	shalt  }
0x79: {  	_ =	shalt  }
0x7a: {  	_ =	shalt  }
0x7b: {  	_ =	shalt  }
0x7c: {  	_ =	shalt  }
0x7d: {  	_ =	shalt  }
0x7e: {  	_ =	shalt  }
0x7f: {  	_ =	shalt  }
0x80: {  	_ =	shalt  }
0x81: {  	_ =	shalt  }
0x82: {  	_ =	shalt  }
0x83: {  	_ =	shalt  }
0x84: {  	_ =	shalt  }
0x85: {  	_ =	shalt  }
0x86: {  	_ =	shalt  }
0x87: {  	_ =	shalt  }
.Lfunc_end0:
.L_simem_size_0:
called_computation.3_lowered:
.L_overlay_start_0:
0x88: {  	s2 =	sld [smem:$0x3FD9]  }
0x89: {  	s3 =	sld [smem:$0x3FFE];
	_ =	sdelay $0x1  }
0x8a: {  	s1 =	srdreg.scid  }
0x8b: {  	s0 =	sand.u32 $0x1, s1  }
0x8c: {  	s16 =	sshll.u32 s0, $0xA;
	s2 =	sadd.s32 s3, s2  }
0x8d: {  	s2 =	sadd.s32 s2, s16  }
0x8e: {  	[smem:$0x3FB3] =	sst s2  }
0x8f: {  	_ = 	snop  }
0x90: {  	(tm) =	ssettm $0x1  }
0x91: {  	s17 =	sld [smem:$0x3FFB];
	_ =	sdelay $0x3  }
0x92: {  	_ =	strace s17  }
0x93: {  	s2 =	sld [smem:$0x3FFC];
	_ =	sdelay $0x3  }
0x94: {  	_ =	strace s2  }
0x95: {  	s2 =	sld [smem:$0x3FFD];
	_ =	sdelay $0x3  }
0x96: {  	_ =	strace s2  }
0x97: {  	_ =	strace $0x8FFFFFFF  }
0x98: {  	s18 =	sld [smem:$0x3FDB];
	_ =	sdelay $0x1  }
0x99: {  	s19 =	simm.s32 $_scs_section_size  }
0x9a: {  	s4 =	simm.s32 $_size__tile_overlayer_lowered;
	s5 =	simm.s32 $_tile_overlayer_lowered  }
0x9b: {  	s22 =	simm.s32 $0x1BFF;
	s21 =	sshll.u32 s5, $0x1;
	s2 =	sadd.s32 s19, s18  }
0x9c: {  	s6 =	simm.s32 $0x0;
	s20 =	sshll.u32 s4, $0x1;
	s4 =	sadd.s32 s21, s2  }
0x9d: {  	[timem:s6], [sflag:s22] =	dma.local [hbm:s4], s20  }
0x9e: {  	_ =	swait.ge [sflag:s22], s20  }
0x9f: {  	s3 =	ssub.s32 $0x0, s20;
	[sflag:s22] =	ssyncset.done $0x0  }
0xa0: {  	[sflag:s22] =	ssyncadd.s32 s3;
	_ =	sdelay $0x1  }
0xa1: {  	s23 =	simm.s32 $0x1B8B  }
0xa2: {  	_ =	swait.ge [sflag:s23], $0x1  }
0xa3: {  	[sflag:s23] =	ssyncset.done $0x0  }
0xa4: {  	s25 =	simm.s32 $0x1B8E;
	s24 =	sld [smem:$0x3FFE];
	[sflag:s23] =	ssyncadd.s32 $0xFFFFFFFF  }
0xa5: {  	s26 =	simm.s32 $execute0_lowered;
	[smem:$0x3FD2] =	sst s25  }
0xa6: {  	s4 =	sshll.u32 s26, $0x1;
	_ =	strace $0x8000004F;
	[dreg:$0x1] =	wrdreg $0xFFFFFFFF  }
0xa7: {  	s28 =	simm.s32 $_size_execute0_lowered;
	s2 =	sadd.s32 s2, s4;
	[dreg:$0x0] =	wrdreg $0x0  }
0xa8: {  	s4 =	sshll.u32 s28, $0x1;
	[dreg:$0x2] =	wrdreg s2  }
0xa9: {  	[dreg:$0x3] =	wrdreg s4  }
0xaa: {  	[dreg:$0x4] =	wrdreg $0xC0  }
0xab: {  	_ =	task [dreg:s6], $0x5FFFF  }
0xac: {  	[dreg:$0x1] =	wrdreg $0xFFFFFFFF  }
0xad: {  	[dreg:$0x0] =	wrdreg $0x60  }
0xae: {  	[dreg:$0x2] =	wrdreg s24  }
0xaf: {  	[dreg:$0x3] =	wrdreg $0x53200  }
0xb0: {  	[dreg:$0x4] =	wrdreg $0x7A300  }
0xb1: {  	[dreg:$0x5] =	wrdreg $0x9  }
0xb2: {  	_ =	task.clear_ibuf [dreg:s6], $0x6FFFF;
	_ =	strace $0x9000004F  }
0xb3: {  	s29 =	simm.s32 $0x9;
	_ =	strace $0x80000051  }
0xb4: {  	_ =	swait.ge [sflag:s29], $0x1  }
0xb5: {  	[sflag:s29] =	ssyncadd.s32 $0xFFFFFFFF  }
0xb6: {  	_ =	strace $0x90000051  }
0xb7: {  	_ =	sfence  }
0xb8: {  	s30 =	sld [smem:$0x0];
	_ =	sdelay $0x2  }
0xb9: {  	s31 =	sshll.u32 s1, $0xD;
	s1 =	sshrl.u32 s1, $0x2  }
0xba: {  	s3 =	sand.u32 $0x4000, s31;
	s1 =	sadd.s32 s1, s30  }
0xbb: {  	s0 =	sor.u32 s3, s0;
	s1 =	sshll.u32 s1, $0x11  }
0xbc: {  	s0 =	sor.u32 s1, s0  }
0xbd: {  	s0 =	sadd.s32 $0x8F2B, s0  }
0xbe: {  	[sflag:s0] =	ssyncadd.remote.s32 $0x1  }
0xbf: {  	_ =	sfence.sel $0xFFFF  }
0xc0: {  	[dreg:$0x0] =	wrdreg $0xFFFFFFFF;
	(pc) =	sbr.abs _section_cstart, $3  }
0xc1: {  	[dreg:$0x1] =	wrdreg $0xFFFFFFFF  }
0xc2: {  	_ =	task.clear_ibuf [dreg:s6], $0x2FFFF;
	_ =	strace $0x9FFFFFFF  }
0xc3: {  	(tm) =	ssettm $0x7FFFFFFF  }
tec
execute0_lowered:
.L_overlay_start_1:
0x0: {  	(tag) =	ssettag $0x1  }
0x1: {  	s5 =	rddreg [dreg:$0x0];
	s1 =	srdreg.scid  }
0x2: {  	s0 =	stileid.u32;
	s2 =	rddreg [dreg:$0x1]  }
0x3: {  	s3 =	rddreg [dreg:$0x2];
	s4 =	simm.s32 $0x0;
	s12 =	simm.s32 $0x50  }
0x4: {  	s13 =	simm.s32 $0x2710;
	s6 =	sand.u32 $0x1, s1;
	s9 =	smul.u32 $0x2710, s0  }
0x5: {  	s29 =	sshll.u32 s0, $0x1;
	s1 =	rddreg [dreg:$0x3];
	s11 =	smul.u32 $0x9C40, s0  }
0x6: {  	[smem:$0x7FF] =	sst s4;
	s7 =	sor.u32 s6, s29;
	s8 =	smul.u32 $0x4E20, s6  }
0x7: {  	_ =	strace $0x80000050;
	s6 =	ssub.s32 $0x2, s6;
	s7 =	smul.u32 $0x4E2, s7  }
0x8: {  	s30 =	sshrl.u32 s6, $0x1;
	s15 =	sshrl.u32 s9, $0x3;
	s8 =	sadd.s32 s8, s5  }
0x9: {  	s10 =	ssub.s32 s6, s30;
	s6 =	sadd.s32 s9, s3;
	s7 =	sadd.s32 s7, s5  }
0xa: {  	s5 =	sadd.s32 s9, s2;
	s14 =	sadd.s32 $0xDE400, s8;
	s16 =	sadd.s32 $0x7200, s8  }
0xb: {  	s31 =	sadd.s32 s11, s8;
	s8 =	smax.u32 s10, $0x1;
	s10 =	simm.s32 $0x2C10  }
0xc: {  	s11 =	simm.s32 $0x1;
	s7 =	sadd.s32 $0x11000, s7;
	s9 =	sadd.s32 $0x42000, s31  }
0xd: {  	v0 =	vimm.f32 $1.000000000e+00;
	v1 =	vimm.f32 $0.0e+00;
	s14 =	sadd.s32 s15, s14;
	s15 =	sadd.s32 s15, s16;
	s16 =	simm.s32 $0x0  }
.LBB2_1:
0xe: {  	s17 =	simm.s32 $0x0  }
.LBB2_2:
0xf: {  	p0 =	sne.s32 s17, $0x13C0  }
.Ltmp0:
0x10: {  	_ = 	snop;
	(pc) =	sbr.rel @p0 .LBB2_2-.Ltmp0, $3  }
0x11: {  	_ =	sdelay $0x1  }
0x12: {  	s18 =	sshra.s32 s17, $0x2  }
0x13: {  	s17 =	sadd.s32 $0x40, s17;
	[tilespmem:s18+$0x2710] =	vst v0  }
0x14: {  	s17 =	simm.s32 $0x40;
	s18 =	simm.s32 $0x0  }
.LBB2_4:
0x15: {  	p0 =	sne.s32 s17, $0x9C00;
	[tilespmem:s18+$0x2C10] =	vst v1;
	s18 =	smov.u32 s17;
	s17 =	sadd.s32 $0x40, s17  }
.Ltmp1:
0x16: {  	(pc) =	sbr.rel @p0 .LBB2_4-.Ltmp1, $2  }
0x17: {  	_ =	sdelay $0x2  }
0x18: {  	s18 =	sshra.s32 s18, $0x2  }
0x19: {  	[tilespmem:s18+$0x2C10] =	vst v1  }
0x1a: {  	[spmem:s5] =	stream.linear.scatter [tilespmem:s10], [sflag:$0x1], $0x2710, $0x38;
	[tilespmem:$0xA140] =	vst v63  }
0x1b: {  	_ =	swait.ge [sflag:s11], $0x2710  }
0x1c: {  	[sflag:s11] =	ssyncset.done $0x0  }
0x1d: {  	[sflag:s11] =	ssyncadd.s32 $0xFFFFD8F0  }
0x1e: {  	[spmem:s6] =	stream.linear.scatter [tilespmem:s10], [sflag:$0x1], $0x2710, $0x38;
	[tilespmem:$0xA140] =	vst v63  }
0x1f: {  	_ =	swait.ge [sflag:s11], $0x2710  }
0x20: {  	[sflag:s11] =	ssyncset.done $0x0  }
0x21: {  	[sflag:s11] =	ssyncadd.s32 $0xFFFFD8F0  }
0x22: {  	s17 =	simm.s32 $0x0;
	[bflag:$0x0] =	sbarrier.arrive $0xFFFF  }
0x23: {  	[tilespmem:s17], [sflag:$0x1] =	stream.linear.gather [hbm4b:s7+s17], $0x2710, $0x38;
	[tilespmem:$0xA140] =	vst v63  }
0x24: {  	_ =	swait.ge [sflag:s11], $0x2710  }
0x25: {  	[sflag:s11] =	ssyncset.done $0x0  }
0x26: {  	s31 =	sadd.s32 $0x0, s9;
	[sflag:s11] =	ssyncadd.s32 $0xFFFFD8F0  }
0x27: {  	[tilespmem:s10], [sflag:$0x1] =	stream.linear.gather [hbm4b:s31+s4], $0x500, $0x38;
	[tilespmem:$0xA140] =	vst v63  }
0x28: {  	_ =	swait.ge [sflag:s11], $0x500  }
0x29: {  	[sflag:s11] =	ssyncset.done $0x0  }
0x2a: {  	[sflag:s11] =	ssyncadd.s32 $0xFFFFFB00  }
0x2b: {  	[spmem:s2] =	stream.indirect.scatter.add.f32 [tilespmem:s10], [sflag:$0x1], $0x10, s17, s12, $0xb8;
	[tilespmem:$0xA140] =	vst v63  }
0x2c: {  	_ =	swait.ge [sflag:s11], $0x500  }
0x2d: {  	[sflag:s11] =	ssyncset.done $0x0  }
0x2e: {  	[sflag:s11] =	ssyncadd.s32 $0xFFFFFB00  }
0x2f: {  	[spmem:s3] =	stream.indirect.scatter.add.f32 [tilespmem:s13], [sflag:$0x1], $0x10, s17, s12, $0xb8;
	[tilespmem:$0xA140] =	vst v63  }
0x30: {  	s18 =	simm.s32 $0xA0;
	_ =	swait.ge [sflag:s11], $0x500  }
0x31: {  	s19 =	simm.s32 $0x140;
	s17 =	simm.s32 $0x50;
	[sflag:s11] =	ssyncset.done $0x0  }
.LBB2_6:
0x32: {  	s20 =	sadd.s32 s18, s9  }
0x33: {  	[sflag:s11] =	ssyncadd.s32 $0xFFFFFB00;
	s18 =	smov.u32 s19;
	s21 =	sadd.s32 $0xA0, s19  }
0x34: {  	[tilespmem:s10], [sflag:$0x1] =	stream.linear.gather [hbm4b:s20+s4], $0x500, $0x38;
	[tilespmem:$0xA140] =	vst v63  }
0x35: {  	p0 =	sne.s32 s19, $0x4D80;
	_ =	swait.ge [sflag:s11], $0x500  }
0x36: {  	[sflag:s11] =	ssyncset.done $0x0  }
0x37: {  	[sflag:s11] =	ssyncadd.s32 $0xFFFFFB00  }
0x38: {  	[spmem:s2] =	stream.indirect.scatter.add.f32 [tilespmem:s10], [sflag:$0x1], $0x10, s17, s12, $0xb8;
	[tilespmem:$0xA140] =	vst v63  }
0x39: {  	_ =	swait.ge [sflag:s11], $0x500  }
.Ltmp2:
0x3a: {  	[sflag:s11] =	ssyncset.done $0x0;
	(pc) =	sbr.rel @p0 .LBB2_6-.Ltmp2, $4  }
0x3b: {  	[sflag:s11] =	ssyncadd.s32 $0xFFFFFB00  }
0x3c: {  	[spmem:s3] =	stream.indirect.scatter.add.f32 [tilespmem:s13], [sflag:$0x1], $0x10, s17, s12, $0xb8;
	[tilespmem:$0xA140] =	vst v63  }
0x3d: {  	_ =	swait.ge [sflag:s11], $0x500  }
0x3e: {  	s19 =	smov.u32 s21;
	s17 =	sadd.s32 $0x50, s17;
	[sflag:s11] =	ssyncset.done $0x0  }
0x3f: {  	s18 =	sadd.s32 s18, s9;
	[sflag:s11] =	ssyncadd.s32 $0xFFFFFB00  }
0x40: {  	[tilespmem:s10], [sflag:$0x1] =	stream.linear.gather [hbm4b:s18+s4], $0x500, $0x38;
	[tilespmem:$0xA140] =	vst v63  }
0x41: {  	_ =	swait.ge [sflag:s11], $0x500  }
0x42: {  	[sflag:s11] =	ssyncset.done $0x0  }
0x43: {  	[sflag:s11] =	ssyncadd.s32 $0xFFFFFB00  }
0x44: {  	[spmem:s2] =	stream.indirect.scatter.add.f32 [tilespmem:s10], [sflag:$0x1], $0x10, s17, s12, $0xb8;
	[tilespmem:$0xA140] =	vst v63  }
0x45: {  	_ =	swait.ge [sflag:s11], $0x500  }
0x46: {  	[sflag:s11] =	ssyncset.done $0x0  }
0x47: {  	[sflag:s11] =	ssyncadd.s32 $0xFFFFFB00  }
0x48: {  	[spmem:s3] =	stream.indirect.scatter.add.f32 [tilespmem:s13], [sflag:$0x1], $0x10, s17, s12, $0xb8;
	[tilespmem:$0xA140] =	vst v63  }
0x49: {  	_ =	swait.ge [sflag:s11], $0x500  }
0x4a: {  	[sflag:s11] =	ssyncset.done $0x0  }
0x4b: {  	[sflag:s11] =	ssyncadd.s32 $0xFFFFFB00  }
0x4c: {  	[bflag:$0x0] =	sbarrier.arrive $0xFFFF  }
0x4d: {  	[tilespmem:s10], [sflag:$0x1] =	stream.linear.gather [spmem:s5], $0x2710, $0x38;
	[tilespmem:$0xA140] =	vst v63  }
0x4e: {  	_ =	swait.ge [sflag:s11], $0x2710  }
0x4f: {  	[sflag:s11] =	ssyncset.done $0x0  }
0x50: {  	[sflag:s11] =	ssyncadd.s32 $0xFFFFD8F0  }
0x51: {  	[hbm4b:s14+s4] =	stream.linear.scatter [tilespmem:s10], [sflag:$0x1], $0x2710, $0x38;
	[tilespmem:$0xA140] =	vst v63  }
0x52: {  	_ =	swait.ge [sflag:s11], $0x2710  }
0x53: {  	[sflag:s11] =	ssyncset.done $0x0  }
0x54: {  	[sflag:s11] =	ssyncadd.s32 $0xFFFFD8F0  }
0x55: {  	[tilespmem:s10], [sflag:$0x1] =	stream.linear.gather [spmem:s6], $0x2710, $0x38;
	[tilespmem:$0xA140] =	vst v63  }
0x56: {  	s16 =	sadd.s32 $0x1, s16;
	_ =	swait.ge [sflag:s11], $0x2710  }
0x57: {  	p0 =	sne.s32 s16, s8;
	[sflag:s11] =	ssyncset.done $0x0  }
.Ltmp3:
0x58: {  	[sflag:s11] =	ssyncadd.s32 $0xFFFFD8F0;
	(pc) =	sbr.rel @p0 .LBB2_1-.Ltmp3, $4  }
0x59: {  	[hbm4b:s15+s4] =	stream.linear.scatter [tilespmem:s10], [sflag:$0x1], $0x2710, $0x38;
	[tilespmem:$0xA140] =	vst v63  }
0x5a: {  	_ =	swait.ge [sflag:s11], $0x2710  }
0x5b: {  	[sflag:s11] =	ssyncset.done $0x0  }
0x5c: {  	[sflag:s11] =	ssyncadd.s32 $0xFFFFD8F0  }
0x5d: {  	_ =	sfence.sel $0x180000  }
0x5e: {  	[bflag:$0x0] =	sbarrier.arrive $0xFFFF  }
0x5f: {  	p0 =	sne.s32 s0, $0x0;
	_ =	strace $0x90000050  }
0x60: {  	s0 =	sadd.s32 @!p0 $0x100000, s1;
	[bflag:$0x2] =	sbarrier.arrive $0xFFFF  }
0x61: {  	[sflag:s0] =	ssyncadd.tile.s32 @!p0 $0x1;
	_ =	shalt  }
.Lfunc_end2:
_tile_overlayer_lowered:
.L_overlay_start_2:
0x62: {  	(tag) =	ssettag $0x2  }
0x63: {  	s0 =	rddreg [dreg:$0x0];
	s2 =	stileid.u32  }
0x64: {  	s1 =	rddreg [dreg:$0x1];
	p0 =	sne.s32 s2, $0x0  }
0x65: {  	s3 =	rddreg [dreg:$0x2];
	[bflag:$0x3] =	sbarrier.arrive $0xFFFF;
	s2 =	simm.s32 @!p0 $0x1C01  }
0x66: {  	[timem:s3], [sflag:s2] =	dma.local @!p0 [hbm:s0], s1  }
0x67: {  	s0 =	simm.s32 @!p0 $0x1  }
0x68: {  	_ =	swait.ge @!p0 [sflag:s0], s1  }
0x69: {  	s1 =	ssub.s32 @!p0 $0x0, s1;
	[sflag:s0] =	ssyncset.done @!p0 $0x0  }
0x6a: {  	[sflag:s0] =	ssyncadd.s32 @!p0 s1  }
0x6b: {  	[bflag:$0x3] =	sbarrier.arrive $0xFFFF  }
0x6c: {  	_ =	shalt  }

</sc_bundles>
